<compile_context>
chip_gen: v7x
topology: tpu7x:2x2x1
jax: 0.10.2.dev20260603
libtpu: 0.0.44.dev20260713+nightly
codegen_flags: <defaults>
</compile_context>

<pallas_src>
import functools

import jax
import jax.numpy as jnp
from jax import lax
from jax.experimental import pallas as pl
from jax.experimental.pallas import tpu as pltpu
from jax.experimental.pallas import tpu_sc as plsc

NC = 2
NS = 16
LN = 16


def _mesh():
    return plsc.VectorSubcoreMesh(
        core_axis_name="c", subcore_axis_name="s", num_cores=NC, num_subcores=NS
    )


def _deg_body(N, E, CH, NR, ef_hbm, out_hbm, acc, zbuf, obuf, ci, *ss):
    c = lax.axis_index("c")
    s = lax.axis_index("s")
    ct = N // 1000
    r0 = s * 1000

    ec = E // NC
    et = ec // NS
    ni = et // CH
    base0 = c * ec + s * et
    pltpu.async_copy(ef_hbm.at[pl.ds(E + base0, et)], ci, ss[0])

    def zrow(i, carry):
        zbuf[i, pl.ds(0, LN)] = jnp.zeros((LN,), jnp.float32)
        return carry

    lax.fori_loop(0, zbuf.shape[0], zrow, 0)

    def orow(i, carry):
        obuf[i, pl.ds(0, LN)] = jnp.ones((LN,), jnp.float32)
        return carry

    lax.fori_loop(0, CH, orow, 0)

    @pl.when(s < ct)
    def _zero():
        pltpu.sync_copy(zbuf, acc.at[pl.ds(r0, 1000)])

    pltpu.make_async_copy(ef_hbm.at[pl.ds(E + base0, et)], ci, ss[0]).wait()
    plsc.subcore_barrier()

    def start_scatter(b, ch):
        pltpu.async_copy(obuf, acc.at[ci.at[pl.ds(ch * CH, CH)]], ss[b], add=True)

    def wait_scatter(b):
        pltpu.make_async_copy(obuf, acc.at[ci.at[pl.ds(0, CH)]], ss[b]).wait()

    def outer(o, carry):
        for b in range(NR):
            ch = o * NR + b

            @pl.when(ch >= NR)
            def _drain():
                wait_scatter(b)

            start_scatter(b, ch)
        return carry

    lax.fori_loop(0, ni // NR, outer, 0)
    for ch in range((ni // NR) * NR, ni):
        b = ch % NR
        if ch >= NR:
            wait_scatter(b)
        start_scatter(b, ch)
    for b in range(NR):
        wait_scatter(b)

    plsc.subcore_barrier()

    @pl.when(s < ct)
    def _copyout():
        pltpu.sync_copy(acc.at[pl.ds(r0, 1000)], out_hbm.at[pl.ds(c * N + r0, 1000)])


def _sc_deg(ef, N, E, CH):
    NR = 4
    et = E // NC // NS
    body = functools.partial(_deg_body, N, E, CH, NR)
    return pl.kernel(
        body,
        out_type=jax.ShapeDtypeStruct((NC * N, LN), jnp.float32),
        mesh=_mesh(),
        compiler_params=pltpu.CompilerParams(use_tc_tiling_on_sc=False),
        scratch_types=[
            pltpu.VMEM_SHARED((N, LN), jnp.float32),
            pltpu.VMEM((1000, LN), jnp.float32),
            pltpu.VMEM((CH, LN), jnp.float32),
            pltpu.VMEM((et,), jnp.int32),
        ]
        + [pltpu.SemaphoreType.DMA] * NR,
    )(ef)


NB = 3


def _agg_body(N, E, D, CH, vals_hbm, ef_hbm, z_hbm, out_hbm, acc, ri, ci, *bufs):
    gb = bufs[0:NB]
    sm = bufs[NB:2 * NB]
    ss = bufs[2 * NB:3 * NB]
    c = lax.axis_index("c")
    s = lax.axis_index("s")
    ct = N // 1000
    r0 = s * 1000

    ec = E // NC
    et = ec // NS
    ni = et // CH
    base0 = c * ec + s * et

    pltpu.async_copy(ef_hbm.at[pl.ds(base0, et)], ri, sm[0])
    pltpu.async_copy(ef_hbm.at[pl.ds(E + base0, et)], ci, sm[1])

    @pl.when(s < ct)
    def _zero():
        pltpu.sync_copy(z_hbm, acc.at[pl.ds(r0, 1000)])

    def start_gather(b, ch):
        pltpu.async_copy(vals_hbm.at[ri.at[pl.ds(ch * CH, CH)]], gb[b], sm[b])

    def wait_gather(b):
        pltpu.make_async_copy(vals_hbm.at[ri.at[pl.ds(0, CH)]], gb[b], sm[b]).wait()

    def start_scatter(b, ch):
        pltpu.async_copy(gb[b], acc.at[ci.at[pl.ds(ch * CH, CH)]], ss[b], add=True)

    def wait_scatter(b):
        pltpu.make_async_copy(gb[b], acc.at[ci.at[pl.ds(0, CH)]], ss[b]).wait()

    pltpu.make_async_copy(ef_hbm.at[pl.ds(base0, et)], ri, sm[0]).wait()
    pltpu.make_async_copy(ef_hbm.at[pl.ds(E + base0, et)], ci, sm[1]).wait()
    for b in range(NB - 1):
        start_gather(b, b)
    plsc.subcore_barrier()

    def outer(o, carry):
        for b in range(NB):
            ch = o * NB + b
            pb = (b + NB - 1) % NB
            wait_gather(b)
            start_scatter(b, ch)

            @pl.when(ch + NB - 1 < ni)
            def _prefetch():
                @pl.when(ch >= 1)
                def _drain():
                    wait_scatter(pb)

                start_gather(pb, ch + NB - 1)
        return carry

    lax.fori_loop(0, ni // NB, outer, 0)
    for ch in range((ni // NB) * NB, ni):
        b = ch % NB
        pb = (b + NB - 1) % NB
        wait_gather(b)
        start_scatter(b, ch)
        if ch + NB - 1 < ni:
            wait_scatter(pb)
            start_gather(pb, ch + NB - 1)
    for b in range(NB):
        wait_scatter(b)

    plsc.subcore_barrier()

    @pl.when(s < ct)
    def _copyout():
        pltpu.sync_copy(acc.at[pl.ds(r0, 1000)], out_hbm.at[pl.ds(c * N + r0, 1000)])


def _sc_agg(vals, ef, zb, N, E, D, CH):
    et = E // NC // NS
    body = functools.partial(_agg_body, N, E, D, CH)
    return pl.kernel(
        body,
        out_type=jax.ShapeDtypeStruct((NC * N, D), jnp.float32),
        mesh=_mesh(),
        compiler_params=pltpu.CompilerParams(use_tc_tiling_on_sc=False),
        scratch_types=[
            pltpu.VMEM_SHARED((N, D), jnp.float32),
            pltpu.VMEM((et,), jnp.int32),
            pltpu.VMEM((et,), jnp.int32),
        ]
        + [pltpu.VMEM((CH, D), jnp.float32)] * NB
        + [pltpu.SemaphoreType.DMA] * (2 * NB),
    )(vals, ef, zb)


def _prep_body(deg0_ref, deg1_ref, x_ref, xs_ref, dv_ref):
    deg = deg0_ref[:, 0:1] + deg1_ref[:, 0:1]
    dinv = jnp.where(deg > 0, lax.rsqrt(deg), 0.0)
    dv = jnp.broadcast_to(dinv, x_ref.shape)
    dv_ref[...] = dv
    xs_ref[...] = x_ref[...] * dv


def _tc_prep(degp, x, N, D, R):
    nb = N // R
    return pl.pallas_call(
        _prep_body,
        grid=(nb,),
        in_specs=[
            pl.BlockSpec((R, LN), lambda i: (i, 0)),
            pl.BlockSpec((R, LN), lambda i: (nb + i, 0)),
            pl.BlockSpec((R, D), lambda i: (i, 0)),
        ],
        out_specs=[
            pl.BlockSpec((R, D), lambda i: (i, 0)),
            pl.BlockSpec((R, D), lambda i: (i, 0)),
        ],
        out_shape=[
            jax.ShapeDtypeStruct((N, D), jnp.float32),
            jax.ShapeDtypeStruct((N, D), jnp.float32),
        ],
    )(degp, degp, x)


def _mid_body(p0_ref, p1_ref, dv_ref, w1_ref, b1_ref, w2_ref, t_ref):
    dv = dv_ref[...]
    z = (p0_ref[...] + p1_ref[...]) * dv
    h = jnp.dot(z, w1_ref[...], preferred_element_type=jnp.float32) + b1_ref[...]
    h = jnp.maximum(h, 0.0)
    t_ref[...] = jnp.dot(h, w2_ref[...], preferred_element_type=jnp.float32) * dv


def _tc_mid(p, dv, W1, b1, W2, N, D, H, R):
    nb = N // R
    return pl.pallas_call(
        _mid_body,
        grid=(nb,),
        in_specs=[
            pl.BlockSpec((R, D), lambda i: (i, 0)),
            pl.BlockSpec((R, D), lambda i: (nb + i, 0)),
            pl.BlockSpec((R, D), lambda i: (i, 0)),
            pl.BlockSpec((D, H), lambda i: (0, 0)),
            pl.BlockSpec((1, H), lambda i: (0, 0)),
            pl.BlockSpec((H, D), lambda i: (0, 0)),
        ],
        out_specs=pl.BlockSpec((R, D), lambda i: (i, 0)),
        out_shape=jax.ShapeDtypeStruct((N, D), jnp.float32),
    )(p, p, dv, W1, b1.reshape(1, H), W2)


def _fin_body(q0_ref, q1_ref, dv_ref, b2_ref, o_ref):
    o_ref[...] = (q0_ref[...] + q1_ref[...]) * dv_ref[...] + b2_ref[...]


def _tc_fin(q, dv, b2, N, D, R):
    nb = N // R
    return pl.pallas_call(
        _fin_body,
        grid=(nb,),
        in_specs=[
            pl.BlockSpec((R, D), lambda i: (i, 0)),
            pl.BlockSpec((R, D), lambda i: (nb + i, 0)),
            pl.BlockSpec((R, D), lambda i: (i, 0)),
            pl.BlockSpec((1, D), lambda i: (0, 0)),
        ],
        out_specs=pl.BlockSpec((R, D), lambda i: (i, 0)),
        out_shape=jax.ShapeDtypeStruct((N, D), jnp.float32),
    )(q, q, dv, b2.reshape(1, D))


def kernel(x, edge_index, W1, b1, W2, b2):
    N, D = x.shape
    E = edge_index.shape[1]
    H = W1.shape[1]
    CH = 80
    CHA = 80
    R = 5000

    ef = edge_index.reshape(-1)
    zb = jnp.zeros((1000, D), jnp.float32)
    degp = _sc_deg(ef, N, E, CH)
    xs, dv = _tc_prep(degp, x, N, D, R)
    p = _sc_agg(xs, ef, zb, N, E, D, CHA)
    t = _tc_mid(p, dv, W1, b1, W2, N, D, H, R)
    q = _sc_agg(t, ef, zb, N, E, D, CHA)
    return _tc_fin(q, dv, b2, N, D, R)

# --- scband reference (transcript-rebuilt; emitter-appended) ---
"""Pipeline reference for scband-gcnencoder-30562987278563 (READ-ONLY COPY).

The authoritative reference and input builder live on the scoring server;
editing this copy changes nothing except your own understanding.
"""

import jax, jax.numpy as jnp
import numpy as np


def _gcn_conv(x, edge_index, W, b):
    # PyG GCNConv with add_self_loops=False, normalize=True
    n = x.shape[0]
    row = edge_index[0]
    col = edge_index[1]
    deg = jnp.zeros((n,), dtype=x.dtype).at[col].add(1.0)
    dinv = jnp.where(deg > 0, deg ** -0.5, 0.0)
    norm = dinv[row] * dinv[col]
    h = x @ W
    msg = h[row] * norm[:, None]
    out = jnp.zeros((n, W.shape[1]), dtype=x.dtype).at[col].add(msg)
    return out + b


def setup_inputs(seed: int = 0):
    key = jax.random.key(seed)
    k1, k2, k3, k4, k5, k6 = jax.random.split(key, 6)
    N, E, d_in, d_out = 10000, 320000, 128, 128
    d_hid = 2 * d_out
    x = jax.random.normal(k1, (N, d_in), dtype=jnp.float32)
    edge_index = jax.random.randint(k2, (2, E), 0, N, dtype=jnp.int32)
    W1 = jax.random.normal(k3, (d_in, d_hid), dtype=jnp.float32) * (1.0 / np.sqrt(d_in))
    b1 = jnp.zeros((d_hid,), dtype=jnp.float32)
    W2 = jax.random.normal(k4, (d_hid, d_out), dtype=jnp.float32) * (1.0 / np.sqrt(d_hid))
    b2 = jnp.zeros((d_out,), dtype=jnp.float32)
    return {"x": x, "edge_index": edge_index, "W1": W1, "b1": b1, "W2": W2, "b2": b2}


def reference(x, edge_index, W1, b1, W2, b2):
    # eval mode: F.dropout(p=0.9, training=False) is identity
    h = _gcn_conv(x, edge_index, W1, b1)
    h = jax.nn.relu(h)
    out = _gcn_conv(h, edge_index, W2, b2)
    return out

if __name__ == "__main__":
    import jax
    _d = setup_inputs()
    print(jax.jit(kernel)(*tuple(_d.values())))

</pallas_src>

<mosaic_0001>
#map = affine_map<(d0, d1) -> (0)>
#map1 = affine_map<(d0, d1) -> (0, 0)>
module attributes {stable_mosaic.version = 14 : i64} {
  func.func @_deg_body(%arg0: i32, %arg1: i32, %arg2: memref<640000xi32, #tpu.memory_space<hbm>>, %arg3: memref<20000x16xf32, #tpu.memory_space<hbm>>, %arg4: memref<10000x16xf32, #tpu.memory_space<vmem_shared>>, %arg5: memref<1000x16xf32, #tpu.memory_space<vmem>>, %arg6: memref<80x16xf32, #tpu.memory_space<vmem>>, %arg7: memref<10000xi32, #tpu.memory_space<vmem>>, %arg8: memref<!tpu.dma_semaphore, #tpu.memory_space<semaphore_mem>>, %arg9: memref<!tpu.dma_semaphore, #tpu.memory_space<semaphore_mem>>, %arg10: memref<!tpu.dma_semaphore, #tpu.memory_space<semaphore_mem>>, %arg11: memref<!tpu.dma_semaphore, #tpu.memory_space<semaphore_mem>>) attributes {dimension_semantics = [#tpu.dimension_semantics<core_parallel>, #tpu.dimension_semantics<subcore_parallel>], iteration_bounds = array<i64: 2, 16>, scalar_prefetch = 0 : i64, scratch_operands = 8 : i64, tpu.core_type = #tpu.core_type<sc_vector_subcore>, window_params = [{transform_indices = #map}, {transform_indices = #map1}]} {
    %mul3A = arith.constant 1000 : i32
    %mul3A_0 = arith.muli %arg1, %mul3A : i32
    %mul3A_1 = arith.constant 160000 : i32
    %mul3A_2 = arith.muli %arg0, %mul3A_1 : i32
    %mul3A_3 = arith.constant 10000 : i32
    %mul3A_4 = arith.muli %arg1, %mul3A_3 : i32
    %add3A = arith.addi %mul3A_2, %mul3A_4 : i32
    %add3A_5 = arith.constant 320000 : i32
    %add3A_6 = arith.addi %add3A_5, %add3A : i32
    %dma_start3A = tpu.memref_slice %arg2[%add3A_6] : memref<640000xi32, #tpu.memory_space<hbm>> -> memref<10000xi32, #tpu.memory_space<hbm>>
    %dma_start3A_7 = tpu.memref_slice %arg2[%add3A_6] : memref<640000xi32, #tpu.memory_space<hbm>> -> memref<10000xi32, #tpu.memory_space<hbm>>
    tpu.enqueue_dma source(%dma_start3A_7 : memref<10000xi32, #tpu.memory_space<hbm>>) target(%arg7 : memref<10000xi32, #tpu.memory_space<vmem>>) target_semaphore(%arg8 : memref<!tpu.dma_semaphore, #tpu.memory_space<semaphore_mem>>)
    %scan3A = arith.constant 0 : i32
    %scan3A_8 = arith.constant 0 : i32
    %scan3A_9 = arith.constant 1000 : i32
    %scan3A_10 = arith.addi %scan3A_8, %scan3A_9 : i32
    %scan3A_11 = arith.constant 1 : i32
    scf.for %scan3A_66 = %scan3A_8 to %scan3A_10 step %scan3A_11  : i32 {
      %broadcast_in_dim3A = arith.constant 0.000000e+00 : f32
      %broadcast_in_dim3A_67 = vector.broadcast %broadcast_in_dim3A : f32 to vector<16xf32>
      %swap3A = arith.index_cast %scan3A_66 : i32 to index
      %swap3A_68 = arith.constant 0 : index
      %swap3A_69 = tpu.vector_load %arg5[%swap3A, %swap3A_68] {strides = array<i32>} : memref<1000x16xf32, #tpu.memory_space<vmem>>, vector<1x16xf32>,
      %swap3A_70 = vector.shape_cast %swap3A_69 : vector<1x16xf32> to vector<16xf32>
      %swap3A_71 = vector.shape_cast %broadcast_in_dim3A_67 : vector<16xf32> to vector<1x16xf32>
      tpu.vector_store %arg5[%swap3A, %swap3A_68], %swap3A_71 {strides = array<i32>} : memref<1000x16xf32, #tpu.memory_space<vmem>>, vector<1x16xf32>,
    }
    %scan3A_12 = arith.constant 1000 : i32
    %scan3A_13 = arith.constant 0 : i32
    %scan3A_14 = arith.constant 0 : i32
    %scan3A_15 = arith.constant 80 : i32
    %scan3A_16 = arith.addi %scan3A_14, %scan3A_15 : i32
    %scan3A_17 = arith.constant 1 : i32
    scf.for %scan3A_66 = %scan3A_14 to %scan3A_16 step %scan3A_17  : i32 {
      %broadcast_in_dim3A = arith.constant 1.000000e+00 : f32
      %broadcast_in_dim3A_67 = vector.broadcast %broadcast_in_dim3A : f32 to vector<16xf32>
      %swap3A = arith.index_cast %scan3A_66 : i32 to index
      %swap3A_68 = arith.constant 0 : index
      %swap3A_69 = tpu.vector_load %arg6[%swap3A, %swap3A_68] {strides = array<i32>} : memref<80x16xf32, #tpu.memory_space<vmem>>, vector<1x16xf32>,
      %swap3A_70 = vector.shape_cast %swap3A_69 : vector<1x16xf32> to vector<16xf32>
      %swap3A_71 = vector.shape_cast %broadcast_in_dim3A_67 : vector<16xf32> to vector<1x16xf32>
      tpu.vector_store %arg6[%swap3A, %swap3A_68], %swap3A_71 {strides = array<i32>} : memref<80x16xf32, #tpu.memory_space<vmem>>, vector<1x16xf32>,
    }
    %scan3A_18 = arith.constant 80 : i32
    %lt3A = arith.constant 10 : i32
    %lt3A_19 = arith.cmpi slt, %arg1, %lt3A : i32
    %convert_element_type3A = arith.extui %lt3A_19 : i1 to i32
    %cond3A = arith.constant 0 : i32
    %cond3A_20 = arith.cmpi ne, %convert_element_type3A, %cond3A : i32
    scf.if %cond3A_20 {
      "tpu.region"() ({
        %run_scoped3A = tpu.sem_alloc : memref<!tpu.dma_semaphore, #tpu.memory_space<semaphore_mem>>
        %dma_start3A_66 = arith.constant 0 : i32
        %dma_start3A_67 = tpu.memref_slice %arg4[%mul3A_0, %dma_start3A_66] : memref<10000x16xf32, #tpu.memory_space<vmem_shared>> -> memref<1000x16xf32, #tpu.memory_space<vmem_shared>>
        %dma_start3A_68 = arith.constant 0 : i32
        %dma_start3A_69 = tpu.memref_slice %arg4[%mul3A_0, %dma_start3A_68] : memref<10000x16xf32, #tpu.memory_space<vmem_shared>> -> memref<1000x16xf32, #tpu.memory_space<vmem_shared>>
        tpu.enqueue_dma source(%arg5 : memref<1000x16xf32, #tpu.memory_space<vmem>>) target(%dma_start3A_69 : memref<1000x16xf32, #tpu.memory_space<vmem_shared>>) target_semaphore(%run_scoped3A : memref<!tpu.dma_semaphore, #tpu.memory_space<semaphore_mem>>)
        %dma_wait3A_70 = arith.constant 0 : i32
        %dma_wait3A_71 = tpu.memref_slice %arg4[%mul3A_0, %dma_wait3A_70] : memref<10000x16xf32, #tpu.memory_space<vmem_shared>> -> memref<1000x16xf32, #tpu.memory_space<vmem_shared>>
        %dma_wait3A_72 = arith.constant 0 : i32
        %dma_wait3A_73 = tpu.memref_slice %arg4[%mul3A_0, %dma_wait3A_72] : memref<10000x16xf32, #tpu.memory_space<vmem_shared>> -> memref<1000x16xf32, #tpu.memory_space<vmem_shared>>
        tpu.wait_dma2 semaphore(%run_scoped3A : memref<!tpu.dma_semaphore, #tpu.memory_space<semaphore_mem>>) src(%arg5 : memref<1000x16xf32, #tpu.memory_space<vmem>>) dst(%dma_wait3A_73 : memref<1000x16xf32, #tpu.memory_space<vmem_shared>>)
        tpu.yield
      }) : () -> ()
    } else {
    }
    %add3A_21 = arith.constant 320000 : i32
    %add3A_22 = arith.addi %add3A_21, %add3A : i32
    %dma_wait3A = tpu.memref_slice %arg2[%add3A_22] : memref<640000xi32, #tpu.memory_space<hbm>> -> memref<10000xi32, #tpu.memory_space<hbm>>
    %dma_wait3A_23 = tpu.memref_slice %arg2[%add3A_22] : memref<640000xi32, #tpu.memory_space<hbm>> -> memref<10000xi32, #tpu.memory_space<hbm>>
    tpu.wait_dma2 semaphore(%arg8 : memref<!tpu.dma_semaphore, #tpu.memory_space<semaphore_mem>>) src(%dma_wait3A_23 : memref<10000xi32, #tpu.memory_space<hbm>>) dst(%arg7 : memref<10000xi32, #tpu.memory_space<vmem>>)
    %barrier3A = arith.constant 0 : index
    tpu.barrier barrier_id(%barrier3A)
    %scan3A_24 = arith.constant 0 : i32
    %scan3A_25 = arith.constant 0 : i32
    %scan3A_26 = arith.constant 31 : i32
    %scan3A_27 = arith.addi %scan3A_25, %scan3A_26 : i32
    %scan3A_28 = arith.constant 1 : i32
    scf.for %scan3A_66 = %scan3A_25 to %scan3A_27 step %scan3A_28  : i32 {
      %mul3A_67 = arith.constant 4 : i32
      %mul3A_68 = arith.muli %scan3A_66, %mul3A_67 : i32
      %add3A_69 = arith.constant 0 : i32
      %add3A_70 = arith.addi %mul3A_68, %add3A_69 : i32
      %ge3A = arith.constant 4 : i32
      %ge3A_71 = arith.cmpi sge, %add3A_70, %ge3A : i32
      %convert_element_type3A_72 = arith.extui %ge3A_71 : i1 to i32
      %cond3A_73 = arith.constant 0 : i32
      %cond3A_74 = arith.cmpi ne, %convert_element_type3A_72, %cond3A_73 : i32
      scf.if %cond3A_74 {
        %dma_wait3A_126 = arith.constant 0 : i32
        %dma_wait3A_127 = tpu.memref_slice %arg7[%dma_wait3A_126] : memref<10000xi32, #tpu.memory_space<vmem>> -> memref<80xi32, #tpu.memory_space<vmem>>
        %dma_wait3A_128 = arith.constant 0 : i32
        %dma_wait3A_129 = arith.constant 0 : i32
        %dma_wait3A_130 = tpu.memref_slice %arg4[%dma_wait3A_128, %dma_wait3A_129] : memref<10000x16xf32, #tpu.memory_space<vmem_shared>> -> memref<10000x16xf32, #tpu.memory_space<vmem_shared>>
        tpu.wait_indirect_dma semaphore(%arg8 : memref<!tpu.dma_semaphore, #tpu.memory_space<semaphore_mem>>) src(%arg6 : memref<80x16xf32, #tpu.memory_space<vmem>>) dst(%dma_wait3A_130 : memref<10000x16xf32, #tpu.memory_space<vmem_shared>>)
      } else {
      }
      %mul3A_75 = arith.constant 80 : i32
      %mul3A_76 = arith.muli %add3A_70, %mul3A_75 : i32
      %dma_start3A_77 = tpu.memref_slice %arg7[%mul3A_76] : memref<10000xi32, #tpu.memory_space<vmem>> -> memref<80xi32, #tpu.memory_space<vmem>>
      %dma_start3A_78 = arith.constant 0 : i32
      %dma_start3A_79 = arith.constant 0 : i32
      %dma_start3A_80 = tpu.memref_slice %arg4[%dma_start3A_78, %dma_start3A_79] : memref<10000x16xf32, #tpu.memory_space<vmem_shared>> -> memref<10000x16xf32, #tpu.memory_space<vmem_shared>>
      tpu.enqueue_indirect_dma source(%arg6 : memref<80x16xf32, #tpu.memory_space<vmem>>) target(%dma_start3A_80 : memref<10000x16xf32, #tpu.memory_space<vmem_shared>>) offsets(%dma_start3A_77 : memref<80xi32, #tpu.memory_space<vmem>>) semaphore(%arg8 : memref<!tpu.dma_semaphore, #tpu.memory_space<semaphore_mem>>) {add = true}
      %mul3A_81 = arith.constant 4 : i32
      %mul3A_82 = arith.muli %scan3A_66, %mul3A_81 : i32
      %add3A_83 = arith.constant 1 : i32
      %add3A_84 = arith.addi %mul3A_82, %add3A_83 : i32
      %ge3A_85 = arith.constant 4 : i32
      %ge3A_86 = arith.cmpi sge, %add3A_84, %ge3A_85 : i32
      %convert_element_type3A_87 = arith.extui %ge3A_86 : i1 to i32
      %cond3A_88 = arith.constant 0 : i32
      %cond3A_89 = arith.cmpi ne, %convert_element_type3A_87, %cond3A_88 : i32
      scf.if %cond3A_89 {
        %dma_wait3A_126 = arith.constant 0 : i32
        %dma_wait3A_127 = tpu.memref_slice %arg7[%dma_wait3A_126] : memref<10000xi32, #tpu.memory_space<vmem>> -> memref<80xi32, #tpu.memory_space<vmem>>
        %dma_wait3A_128 = arith.constant 0 : i32
        %dma_wait3A_129 = arith.constant 0 : i32
        %dma_wait3A_130 = tpu.memref_slice %arg4[%dma_wait3A_128, %dma_wait3A_129] : memref<10000x16xf32, #tpu.memory_space<vmem_shared>> -> memref<10000x16xf32, #tpu.memory_space<vmem_shared>>
        tpu.wait_indirect_dma semaphore(%arg9 : memref<!tpu.dma_semaphore, #tpu.memory_space<semaphore_mem>>) src(%arg6 : memref<80x16xf32, #tpu.memory_space<vmem>>) dst(%dma_wait3A_130 : memref<10000x16xf32, #tpu.memory_space<vmem_shared>>)
      } else {
      }
      %mul3A_90 = arith.constant 80 : i32
      %mul3A_91 = arith.muli %add3A_84, %mul3A_90 : i32
      %dma_start3A_92 = tpu.memref_slice %arg7[%mul3A_91] : memref<10000xi32, #tpu.memory_space<vmem>> -> memref<80xi32, #tpu.memory_space<vmem>>
      %dma_start3A_93 = arith.constant 0 : i32
      %dma_start3A_94 = arith.constant 0 : i32
      %dma_start3A_95 = tpu.memref_slice %arg4[%dma_start3A_93, %dma_start3A_94] : memref<10000x16xf32, #tpu.memory_space<vmem_shared>> -> memref<10000x16xf32, #tpu.memory_space<vmem_shared>>
      tpu.enqueue_indirect_dma source(%arg6 : memref<80x16xf32, #tpu.memory_space<vmem>>) target(%dma_start3A_95 : memref<10000x16xf32, #tpu.memory_space<vmem_shared>>) offsets(%dma_start3A_92 : memref<80xi32, #tpu.memory_space<vmem>>) semaphore(%arg9 : memref<!tpu.dma_semaphore, #tpu.memory_space<semaphore_mem>>) {add = true}
      %mul3A_96 = arith.constant 4 : i32
      %mul3A_97 = arith.muli %scan3A_66, %mul3A_96 : i32
      %add3A_98 = arith.constant 2 : i32
      %add3A_99 = arith.addi %mul3A_97, %add3A_98 : i32
      %ge3A_100 = arith.constant 4 : i32
      %ge3A_101 = arith.cmpi sge, %add3A_99, %ge3A_100 : i32
      %convert_element_type3A_102 = arith.extui %ge3A_101 : i1 to i32
      %cond3A_103 = arith.constant 0 : i32
      %cond3A_104 = arith.cmpi ne, %convert_element_type3A_102, %cond3A_103 : i32
      scf.if %cond3A_104 {
        %dma_wait3A_126 = arith.constant 0 : i32
        %dma_wait3A_127 = tpu.memref_slice %arg7[%dma_wait3A_126] : memref<10000xi32, #tpu.memory_space<vmem>> -> memref<80xi32, #tpu.memory_space<vmem>>
        %dma_wait3A_128 = arith.constant 0 : i32
        %dma_wait3A_129 = arith.constant 0 : i32
        %dma_wait3A_130 = tpu.memref_slice %arg4[%dma_wait3A_128, %dma_wait3A_129] : memref<10000x16xf32, #tpu.memory_space<vmem_shared>> -> memref<10000x16xf32, #tpu.memory_space<vmem_shared>>
        tpu.wait_indirect_dma semaphore(%arg10 : memref<!tpu.dma_semaphore, #tpu.memory_space<semaphore_mem>>) src(%arg6 : memref<80x16xf32, #tpu.memory_space<vmem>>) dst(%dma_wait3A_130 : memref<10000x16xf32, #tpu.memory_space<vmem_shared>>)
      } else {
      }
      %mul3A_105 = arith.constant 80 : i32
      %mul3A_106 = arith.muli %add3A_99, %mul3A_105 : i32
      %dma_start3A_107 = tpu.memref_slice %arg7[%mul3A_106] : memref<10000xi32, #tpu.memory_space<vmem>> -> memref<80xi32, #tpu.memory_space<vmem>>
      %dma_start3A_108 = arith.constant 0 : i32
      %dma_start3A_109 = arith.constant 0 : i32
      %dma_start3A_110 = tpu.memref_slice %arg4[%dma_start3A_108, %dma_start3A_109] : memref<10000x16xf32, #tpu.memory_space<vmem_shared>> -> memref<10000x16xf32, #tpu.memory_space<vmem_shared>>
      tpu.enqueue_indirect_dma source(%arg6 : memref<80x16xf32, #tpu.memory_space<vmem>>) target(%dma_start3A_110 : memref<10000x16xf32, #tpu.memory_space<vmem_shared>>) offsets(%dma_start3A_107 : memref<80xi32, #tpu.memory_space<vmem>>) semaphore(%arg10 : memref<!tpu.dma_semaphore, #tpu.memory_space<semaphore_mem>>) {add = true}
      %mul3A_111 = arith.constant 4 : i32
      %mul3A_112 = arith.muli %scan3A_66, %mul3A_111 : i32
      %add3A_113 = arith.constant 3 : i32
      %add3A_114 = arith.addi %mul3A_112, %add3A_113 : i32
      %ge3A_115 = arith.constant 4 : i32
      %ge3A_116 = arith.cmpi sge, %add3A_114, %ge3A_115 : i32
      %convert_element_type3A_117 = arith.extui %ge3A_116 : i1 to i32
      %cond3A_118 = arith.constant 0 : i32
      %cond3A_119 = arith.cmpi ne, %convert_element_type3A_117, %cond3A_118 : i32
      scf.if %cond3A_119 {
        %dma_wait3A_126 = arith.constant 0 : i32
        %dma_wait3A_127 = tpu.memref_slice %arg7[%dma_wait3A_126] : memref<10000xi32, #tpu.memory_space<vmem>> -> memref<80xi32, #tpu.memory_space<vmem>>
        %dma_wait3A_128 = arith.constant 0 : i32
        %dma_wait3A_129 = arith.constant 0 : i32
        %dma_wait3A_130 = tpu.memref_slice %arg4[%dma_wait3A_128, %dma_wait3A_129] : memref<10000x16xf32, #tpu.memory_space<vmem_shared>> -> memref<10000x16xf32, #tpu.memory_space<vmem_shared>>
        tpu.wait_indirect_dma semaphore(%arg11 : memref<!tpu.dma_semaphore, #tpu.memory_space<semaphore_mem>>) src(%arg6 : memref<80x16xf32, #tpu.memory_space<vmem>>) dst(%dma_wait3A_130 : memref<10000x16xf32, #tpu.memory_space<vmem_shared>>)
      } else {
      }
      %mul3A_120 = arith.constant 80 : i32
      %mul3A_121 = arith.muli %add3A_114, %mul3A_120 : i32
      %dma_start3A_122 = tpu.memref_slice %arg7[%mul3A_121] : memref<10000xi32, #tpu.memory_space<vmem>> -> memref<80xi32, #tpu.memory_space<vmem>>
      %dma_start3A_123 = arith.constant 0 : i32
      %dma_start3A_124 = arith.constant 0 : i32
      %dma_start3A_125 = tpu.memref_slice %arg4[%dma_start3A_123, %dma_start3A_124] : memref<10000x16xf32, #tpu.memory_space<vmem_shared>> -> memref<10000x16xf32, #tpu.memory_space<vmem_shared>>
      tpu.enqueue_indirect_dma source(%arg6 : memref<80x16xf32, #tpu.memory_space<vmem>>) target(%dma_start3A_125 : memref<10000x16xf32, #tpu.memory_space<vmem_shared>>) offsets(%dma_start3A_122 : memref<80xi32, #tpu.memory_space<vmem>>) semaphore(%arg11 : memref<!tpu.dma_semaphore, #tpu.memory_space<semaphore_mem>>) {add = true}
    }
    %scan3A_29 = arith.constant 31 : i32
    %dma_wait3A_30 = arith.constant 0 : i32
    %dma_wait3A_31 = tpu.memref_slice %arg7[%dma_wait3A_30] : memref<10000xi32, #tpu.memory_space<vmem>> -> memref<80xi32, #tpu.memory_space<vmem>>
    %dma_wait3A_32 = arith.constant 0 : i32
    %dma_wait3A_33 = arith.constant 0 : i32
    %dma_wait3A_34 = tpu.memref_slice %arg4[%dma_wait3A_32, %dma_wait3A_33] : memref<10000x16xf32, #tpu.memory_space<vmem_shared>> -> memref<10000x16xf32, #tpu.memory_space<vmem_shared>>
    tpu.wait_indirect_dma semaphore(%arg8 : memref<!tpu.dma_semaphore, #tpu.memory_space<semaphore_mem>>) src(%arg6 : memref<80x16xf32, #tpu.memory_space<vmem>>) dst(%dma_wait3A_34 : memref<10000x16xf32, #tpu.memory_space<vmem_shared>>)
    %dma_start3A_35 = arith.constant 9920 : i32
    %dma_start3A_36 = tpu.memref_slice %arg7[%dma_start3A_35] : memref<10000xi32, #tpu.memory_space<vmem>> -> memref<80xi32, #tpu.memory_space<vmem>>
    %dma_start3A_37 = arith.constant 0 : i32
    %dma_start3A_38 = arith.constant 0 : i32
    %dma_start3A_39 = tpu.memref_slice %arg4[%dma_start3A_37, %dma_start3A_38] : memref<10000x16xf32, #tpu.memory_space<vmem_shared>> -> memref<10000x16xf32, #tpu.memory_space<vmem_shared>>
    tpu.enqueue_indirect_dma source(%arg6 : memref<80x16xf32, #tpu.memory_space<vmem>>) target(%dma_start3A_39 : memref<10000x16xf32, #tpu.memory_space<vmem_shared>>) offsets(%dma_start3A_36 : memref<80xi32, #tpu.memory_space<vmem>>) semaphore(%arg8 : memref<!tpu.dma_semaphore, #tpu.memory_space<semaphore_mem>>) {add = true}
    %dma_wait3A_40 = arith.constant 0 : i32
    %dma_wait3A_41 = tpu.memref_slice %arg7[%dma_wait3A_40] : memref<10000xi32, #tpu.memory_space<vmem>> -> memref<80xi32, #tpu.memory_space<vmem>>
    %dma_wait3A_42 = arith.constant 0 : i32
    %dma_wait3A_43 = arith.constant 0 : i32
    %dma_wait3A_44 = tpu.memref_slice %arg4[%dma_wait3A_42, %dma_wait3A_43] : memref<10000x16xf32, #tpu.memory_space<vmem_shared>> -> memref<10000x16xf32, #tpu.memory_space<vmem_shared>>
    tpu.wait_indirect_dma semaphore(%arg8 : memref<!tpu.dma_semaphore, #tpu.memory_space<semaphore_mem>>) src(%arg6 : memref<80x16xf32, #tpu.memory_space<vmem>>) dst(%dma_wait3A_44 : memref<10000x16xf32, #tpu.memory_space<vmem_shared>>)
    %dma_wait3A_45 = arith.constant 0 : i32
    %dma_wait3A_46 = tpu.memref_slice %arg7[%dma_wait3A_45] : memref<10000xi32, #tpu.memory_space<vmem>> -> memref<80xi32, #tpu.memory_space<vmem>>
    %dma_wait3A_47 = arith.constant 0 : i32
    %dma_wait3A_48 = arith.constant 0 : i32
    %dma_wait3A_49 = tpu.memref_slice %arg4[%dma_wait3A_47, %dma_wait3A_48] : memref<10000x16xf32, #tpu.memory_space<vmem_shared>> -> memref<10000x16xf32, #tpu.memory_space<vmem_shared>>
    tpu.wait_indirect_dma semaphore(%arg9 : memref<!tpu.dma_semaphore, #tpu.memory_space<semaphore_mem>>) src(%arg6 : memref<80x16xf32, #tpu.memory_space<vmem>>) dst(%dma_wait3A_49 : memref<10000x16xf32, #tpu.memory_space<vmem_shared>>)
    %dma_wait3A_50 = arith.constant 0 : i32
    %dma_wait3A_51 = tpu.memref_slice %arg7[%dma_wait3A_50] : memref<10000xi32, #tpu.memory_space<vmem>> -> memref<80xi32, #tpu.memory_space<vmem>>
    %dma_wait3A_52 = arith.constant 0 : i32
    %dma_wait3A_53 = arith.constant 0 : i32
    %dma_wait3A_54 = tpu.memref_slice %arg4[%dma_wait3A_52, %dma_wait3A_53] : memref<10000x16xf32, #tpu.memory_space<vmem_shared>> -> memref<10000x16xf32, #tpu.memory_space<vmem_shared>>
    tpu.wait_indirect_dma semaphore(%arg10 : memref<!tpu.dma_semaphore, #tpu.memory_space<semaphore_mem>>) src(%arg6 : memref<80x16xf32, #tpu.memory_space<vmem>>) dst(%dma_wait3A_54 : memref<10000x16xf32, #tpu.memory_space<vmem_shared>>)
    %dma_wait3A_55 = arith.constant 0 : i32
    %dma_wait3A_56 = tpu.memref_slice %arg7[%dma_wait3A_55] : memref<10000xi32, #tpu.memory_space<vmem>> -> memref<80xi32, #tpu.memory_space<vmem>>
    %dma_wait3A_57 = arith.constant 0 : i32
    %dma_wait3A_58 = arith.constant 0 : i32
    %dma_wait3A_59 = tpu.memref_slice %arg4[%dma_wait3A_57, %dma_wait3A_58] : memref<10000x16xf32, #tpu.memory_space<vmem_shared>> -> memref<10000x16xf32, #tpu.memory_space<vmem_shared>>
    tpu.wait_indirect_dma semaphore(%arg11 : memref<!tpu.dma_semaphore, #tpu.memory_space<semaphore_mem>>) src(%arg6 : memref<80x16xf32, #tpu.memory_space<vmem>>) dst(%dma_wait3A_59 : memref<10000x16xf32, #tpu.memory_space<vmem_shared>>)
    %barrier3A_60 = arith.constant 0 : index
    tpu.barrier barrier_id(%barrier3A_60)
    %lt3A_61 = arith.constant 10 : i32
    %lt3A_62 = arith.cmpi slt, %arg1, %lt3A_61 : i32
    %convert_element_type3A_63 = arith.extui %lt3A_62 : i1 to i32
    %cond3A_64 = arith.constant 0 : i32
    %cond3A_65 = arith.cmpi ne, %convert_element_type3A_63, %cond3A_64 : i32
    scf.if %cond3A_65 {
      %mul3A_66 = arith.constant 10000 : i32
      %mul3A_67 = arith.muli %arg0, %mul3A_66 : i32
      %add3A_68 = arith.addi %mul3A_67, %mul3A_0 : i32
      "tpu.region"() ({
        %run_scoped3A = tpu.sem_alloc : memref<!tpu.dma_semaphore, #tpu.memory_space<semaphore_mem>>
        %dma_start3A_69 = arith.constant 0 : i32
        %dma_start3A_70 = tpu.memref_slice %arg3[%add3A_68, %dma_start3A_69] : memref<20000x16xf32, #tpu.memory_space<hbm>> -> memref<1000x16xf32, #tpu.memory_space<hbm>>
        %dma_start3A_71 = arith.constant 0 : i32
        %dma_start3A_72 = tpu.memref_slice %arg4[%mul3A_0, %dma_start3A_71] : memref<10000x16xf32, #tpu.memory_space<vmem_shared>> -> memref<1000x16xf32, #tpu.memory_space<vmem_shared>>
        tpu.enqueue_dma source(%dma_start3A_72 : memref<1000x16xf32, #tpu.memory_space<vmem_shared>>) target(%dma_start3A_70 : memref<1000x16xf32, #tpu.memory_space<hbm>>) target_semaphore(%run_scoped3A : memref<!tpu.dma_semaphore, #tpu.memory_space<semaphore_mem>>)
        %dma_wait3A_73 = arith.constant 0 : i32
        %dma_wait3A_74 = tpu.memref_slice %arg3[%add3A_68, %dma_wait3A_73] : memref<20000x16xf32, #tpu.memory_space<hbm>> -> memref<1000x16xf32, #tpu.memory_space<hbm>>
        %dma_wait3A_75 = arith.constant 0 : i32
        %dma_wait3A_76 = tpu.memref_slice %arg4[%mul3A_0, %dma_wait3A_75] : memref<10000x16xf32, #tpu.memory_space<vmem_shared>> -> memref<1000x16xf32, #tpu.memory_space<vmem_shared>>
        tpu.wait_dma2 semaphore(%run_scoped3A : memref<!tpu.dma_semaphore, #tpu.memory_space<semaphore_mem>>) src(%dma_wait3A_76 : memref<1000x16xf32, #tpu.memory_space<vmem_shared>>) dst(%dma_wait3A_74 : memref<1000x16xf32, #tpu.memory_space<hbm>>)
        tpu.yield
      }) : () -> ()
    } else {
    }
    return
  }
}

#map = affine_map<(d0, d1) -> (0, 0)>
#map1 = affine_map<(d0, d1) -> (0)>
module attributes {stable_mosaic.version = 14 : i64} {
  func.func @_agg_body(%arg0: i32, %arg1: i32, %arg2: memref<10000x128xf32, #tpu.memory_space<hbm>>, %arg3: memref<640000xi32, #tpu.memory_space<hbm>>, %arg4: memref<1000x128xf32, #tpu.memory_space<hbm>>, %arg5: memref<20000x128xf32, #tpu.memory_space<hbm>>, %arg6: memref<10000x128xf32, #tpu.memory_space<vmem_shared>>, %arg7: memref<10000xi32, #tpu.memory_space<vmem>>, %arg8: memref<10000xi32, #tpu.memory_space<vmem>>, %arg9: memref<80x128xf32, #tpu.memory_space<vmem>>, %arg10: memref<80x128xf32, #tpu.memory_space<vmem>>, %arg11: memref<80x128xf32, #tpu.memory_space<vmem>>, %arg12: memref<!tpu.dma_semaphore, #tpu.memory_space<semaphore_mem>>, %arg13: memref<!tpu.dma_semaphore, #tpu.memory_space<semaphore_mem>>, %arg14: memref<!tpu.dma_semaphore, #tpu.memory_space<semaphore_mem>>, %arg15: memref<!tpu.dma_semaphore, #tpu.memory_space<semaphore_mem>>, %arg16: memref<!tpu.dma_semaphore, #tpu.memory_space<semaphore_mem>>, %arg17: memref<!tpu.dma_semaphore, #tpu.memory_space<semaphore_mem>>) attributes {dimension_semantics = [#tpu.dimension_semantics<core_parallel>, #tpu.dimension_semantics<subcore_parallel>], iteration_bounds = array<i64: 2, 16>, scalar_prefetch = 0 : i64, scratch_operands = 12 : i64, tpu.core_type = #tpu.core_type<sc_vector_subcore>, window_params = [{transform_indices = #map}, {transform_indices = #map1}, {transform_indices = #map}, {transform_indices = #map}]} {
    %mul3A = arith.constant 1000 : i32
    %mul3A_0 = arith.muli %arg1, %mul3A : i32
    %mul3A_1 = arith.constant 160000 : i32
    %mul3A_2 = arith.muli %arg0, %mul3A_1 : i32
    %mul3A_3 = arith.constant 10000 : i32
    %mul3A_4 = arith.muli %arg1, %mul3A_3 : i32
    %add3A = arith.addi %mul3A_2, %mul3A_4 : i32
    %dma_start3A = tpu.memref_slice %arg3[%add3A] : memref<640000xi32, #tpu.memory_space<hbm>> -> memref<10000xi32, #tpu.memory_space<hbm>>
    %dma_start3A_5 = tpu.memref_slice %arg3[%add3A] : memref<640000xi32, #tpu.memory_space<hbm>> -> memref<10000xi32, #tpu.memory_space<hbm>>
    tpu.enqueue_dma source(%dma_start3A_5 : memref<10000xi32, #tpu.memory_space<hbm>>) target(%arg7 : memref<10000xi32, #tpu.memory_space<vmem>>) target_semaphore(%arg12 : memref<!tpu.dma_semaphore, #tpu.memory_space<semaphore_mem>>)
    %add3A_6 = arith.constant 320000 : i32
    %add3A_7 = arith.addi %add3A_6, %add3A : i32
    %dma_start3A_8 = tpu.memref_slice %arg3[%add3A_7] : memref<640000xi32, #tpu.memory_space<hbm>> -> memref<10000xi32, #tpu.memory_space<hbm>>
    %dma_start3A_9 = tpu.memref_slice %arg3[%add3A_7] : memref<640000xi32, #tpu.memory_space<hbm>> -> memref<10000xi32, #tpu.memory_space<hbm>>
    tpu.enqueue_dma source(%dma_start3A_9 : memref<10000xi32, #tpu.memory_space<hbm>>) target(%arg8 : memref<10000xi32, #tpu.memory_space<vmem>>) target_semaphore(%arg13 : memref<!tpu.dma_semaphore, #tpu.memory_space<semaphore_mem>>)
    %lt3A = arith.constant 10 : i32
    %lt3A_10 = arith.cmpi slt, %arg1, %lt3A : i32
    %convert_element_type3A = arith.extui %lt3A_10 : i1 to i32
    %cond3A = arith.constant 0 : i32
    %cond3A_11 = arith.cmpi ne, %convert_element_type3A, %cond3A : i32
    scf.if %cond3A_11 {
      "tpu.region"() ({
        %run_scoped3A = tpu.sem_alloc : memref<!tpu.dma_semaphore, #tpu.memory_space<semaphore_mem>>
        %dma_start3A_73 = arith.constant 0 : i32
        %dma_start3A_74 = tpu.memref_slice %arg6[%mul3A_0, %dma_start3A_73] : memref<10000x128xf32, #tpu.memory_space<vmem_shared>> -> memref<1000x128xf32, #tpu.memory_space<vmem_shared>>
        tpu.enqueue_dma source(%arg4 : memref<1000x128xf32, #tpu.memory_space<hbm>>) target(%dma_start3A_74 : memref<1000x128xf32, #tpu.memory_space<vmem_shared>>) target_semaphore(%run_scoped3A : memref<!tpu.dma_semaphore, #tpu.memory_space<semaphore_mem>>)
        %dma_wait3A_75 = arith.constant 0 : i32
        %dma_wait3A_76 = tpu.memref_slice %arg6[%mul3A_0, %dma_wait3A_75] : memref<10000x128xf32, #tpu.memory_space<vmem_shared>> -> memref<1000x128xf32, #tpu.memory_space<vmem_shared>>
        tpu.wait_dma2 semaphore(%run_scoped3A : memref<!tpu.dma_semaphore, #tpu.memory_space<semaphore_mem>>) src(%arg4 : memref<1000x128xf32, #tpu.memory_space<hbm>>) dst(%dma_wait3A_76 : memref<1000x128xf32, #tpu.memory_space<vmem_shared>>)
        tpu.yield
      }) : () -> ()
    } else {
    }
    %dma_wait3A = tpu.memref_slice %arg3[%add3A] : memref<640000xi32, #tpu.memory_space<hbm>> -> memref<10000xi32, #tpu.memory_space<hbm>>
    %dma_wait3A_12 = tpu.memref_slice %arg3[%add3A] : memref<640000xi32, #tpu.memory_space<hbm>> -> memref<10000xi32, #tpu.memory_space<hbm>>
    tpu.wait_dma2 semaphore(%arg12 : memref<!tpu.dma_semaphore, #tpu.memory_space<semaphore_mem>>) src(%dma_wait3A_12 : memref<10000xi32, #tpu.memory_space<hbm>>) dst(%arg7 : memref<10000xi32, #tpu.memory_space<vmem>>)
    %add3A_13 = arith.constant 320000 : i32
    %add3A_14 = arith.addi %add3A_13, %add3A : i32
    %dma_wait3A_15 = tpu.memref_slice %arg3[%add3A_14] : memref<640000xi32, #tpu.memory_space<hbm>> -> memref<10000xi32, #tpu.memory_space<hbm>>
    %dma_wait3A_16 = tpu.memref_slice %arg3[%add3A_14] : memref<640000xi32, #tpu.memory_space<hbm>> -> memref<10000xi32, #tpu.memory_space<hbm>>
    tpu.wait_dma2 semaphore(%arg13 : memref<!tpu.dma_semaphore, #tpu.memory_space<semaphore_mem>>) src(%dma_wait3A_16 : memref<10000xi32, #tpu.memory_space<hbm>>) dst(%arg8 : memref<10000xi32, #tpu.memory_space<vmem>>)
    %dma_start3A_17 = arith.constant 0 : i32
    %dma_start3A_18 = tpu.memref_slice %arg7[%dma_start3A_17] : memref<10000xi32, #tpu.memory_space<vmem>> -> memref<80xi32, #tpu.memory_space<vmem>>
    %dma_start3A_19 = arith.constant 0 : i32
    %dma_start3A_20 = arith.constant 0 : i32
    %dma_start3A_21 = tpu.memref_slice %arg2[%dma_start3A_19, %dma_start3A_20] : memref<10000x128xf32, #tpu.memory_space<hbm>> -> memref<10000x128xf32, #tpu.memory_space<hbm>>
    tpu.enqueue_indirect_dma source(%dma_start3A_21 : memref<10000x128xf32, #tpu.memory_space<hbm>>) target(%arg9 : memref<80x128xf32, #tpu.memory_space<vmem>>) offsets(%dma_start3A_18 : memref<80xi32, #tpu.memory_space<vmem>>) semaphore(%arg12 : memref<!tpu.dma_semaphore, #tpu.memory_space<semaphore_mem>>)
    %dma_start3A_22 = arith.constant 80 : i32
    %dma_start3A_23 = tpu.memref_slice %arg7[%dma_start3A_22] : memref<10000xi32, #tpu.memory_space<vmem>> -> memref<80xi32, #tpu.memory_space<vmem>>
    %dma_start3A_24 = arith.constant 0 : i32
    %dma_start3A_25 = arith.constant 0 : i32
    %dma_start3A_26 = tpu.memref_slice %arg2[%dma_start3A_24, %dma_start3A_25] : memref<10000x128xf32, #tpu.memory_space<hbm>> -> memref<10000x128xf32, #tpu.memory_space<hbm>>
    tpu.enqueue_indirect_dma source(%dma_start3A_26 : memref<10000x128xf32, #tpu.memory_space<hbm>>) target(%arg10 : memref<80x128xf32, #tpu.memory_space<vmem>>) offsets(%dma_start3A_23 : memref<80xi32, #tpu.memory_space<vmem>>) semaphore(%arg13 : memref<!tpu.dma_semaphore, #tpu.memory_space<semaphore_mem>>)
    %barrier3A = arith.constant 0 : index
    tpu.barrier barrier_id(%barrier3A)
    %scan3A = arith.constant 0 : i32
    %scan3A_27 = arith.constant 0 : i32
    %scan3A_28 = arith.constant 41 : i32
    %scan3A_29 = arith.addi %scan3A_27, %scan3A_28 : i32
    %scan3A_30 = arith.constant 1 : i32
    scf.for %scan3A_73 = %scan3A_27 to %scan3A_29 step %scan3A_30  : i32 {
      %mul3A_74 = arith.constant 3 : i32
      %mul3A_75 = arith.muli %scan3A_73, %mul3A_74 : i32
      %add3A_76 = arith.constant 0 : i32
      %add3A_77 = arith.addi %mul3A_75, %add3A_76 : i32
      %dma_wait3A_78 = arith.constant 0 : i32
      %dma_wait3A_79 = tpu.memref_slice %arg7[%dma_wait3A_78] : memref<10000xi32, #tpu.memory_space<vmem>> -> memref<80xi32, #tpu.memory_space<vmem>>
      %dma_wait3A_80 = arith.constant 0 : i32
      %dma_wait3A_81 = arith.constant 0 : i32
      %dma_wait3A_82 = tpu.memref_slice %arg2[%dma_wait3A_80, %dma_wait3A_81] : memref<10000x128xf32, #tpu.memory_space<hbm>> -> memref<10000x128xf32, #tpu.memory_space<hbm>>
      tpu.wait_indirect_dma semaphore(%arg12 : memref<!tpu.dma_semaphore, #tpu.memory_space<semaphore_mem>>) src(%dma_wait3A_82 : memref<10000x128xf32, #tpu.memory_space<hbm>>) dst(%arg9 : memref<80x128xf32, #tpu.memory_space<vmem>>)
      %mul3A_83 = arith.constant 80 : i32
      %mul3A_84 = arith.muli %add3A_77, %mul3A_83 : i32
      %dma_start3A_85 = tpu.memref_slice %arg8[%mul3A_84] : memref<10000xi32, #tpu.memory_space<vmem>> -> memref<80xi32, #tpu.memory_space<vmem>>
      %dma_start3A_86 = arith.constant 0 : i32
      %dma_start3A_87 = arith.constant 0 : i32
      %dma_start3A_88 = tpu.memref_slice %arg6[%dma_start3A_86, %dma_start3A_87] : memref<10000x128xf32, #tpu.memory_space<vmem_shared>> -> memref<10000x128xf32, #tpu.memory_space<vmem_shared>>
      tpu.enqueue_indirect_dma source(%arg9 : memref<80x128xf32, #tpu.memory_space<vmem>>) target(%dma_start3A_88 : memref<10000x128xf32, #tpu.memory_space<vmem_shared>>) offsets(%dma_start3A_85 : memref<80xi32, #tpu.memory_space<vmem>>) semaphore(%arg15 : memref<!tpu.dma_semaphore, #tpu.memory_space<semaphore_mem>>) {add = true}
      %add3A_89 = arith.constant 3 : i32
      %add3A_90 = arith.addi %add3A_77, %add3A_89 : i32
      %sub3A = arith.constant 1 : i32
      %sub3A_91 = arith.subi %add3A_90, %sub3A : i32
      %lt3A_92 = arith.constant 125 : i32
      %lt3A_93 = arith.cmpi slt, %sub3A_91, %lt3A_92 : i32
      %convert_element_type3A_94 = arith.extui %lt3A_93 : i1 to i32
      %cond3A_95 = arith.constant 0 : i32
      %cond3A_96 = arith.cmpi ne, %convert_element_type3A_94, %cond3A_95 : i32
      scf.if %cond3A_96 {
        %ge3A = arith.constant 1 : i32
        %ge3A_145 = arith.cmpi sge, %add3A_77, %ge3A : i32
        %convert_element_type3A_146 = arith.extui %ge3A_145 : i1 to i32
        %cond3A_147 = arith.constant 0 : i32
        %cond3A_148 = arith.cmpi ne, %convert_element_type3A_146, %cond3A_147 : i32
        scf.if %cond3A_148 {
          %dma_wait3A_159 = arith.constant 0 : i32
          %dma_wait3A_160 = tpu.memref_slice %arg8[%dma_wait3A_159] : memref<10000xi32, #tpu.memory_space<vmem>> -> memref<80xi32, #tpu.memory_space<vmem>>
          %dma_wait3A_161 = arith.constant 0 : i32
          %dma_wait3A_162 = arith.constant 0 : i32
          %dma_wait3A_163 = tpu.memref_slice %arg6[%dma_wait3A_161, %dma_wait3A_162] : memref<10000x128xf32, #tpu.memory_space<vmem_shared>> -> memref<10000x128xf32, #tpu.memory_space<vmem_shared>>
          tpu.wait_indirect_dma semaphore(%arg17 : memref<!tpu.dma_semaphore, #tpu.memory_space<semaphore_mem>>) src(%arg11 : memref<80x128xf32, #tpu.memory_space<vmem>>) dst(%dma_wait3A_163 : memref<10000x128xf32, #tpu.memory_space<vmem_shared>>)
        } else {
        }
        %add3A_149 = arith.constant 3 : i32
        %add3A_150 = arith.addi %add3A_77, %add3A_149 : i32
        %sub3A_151 = arith.constant 1 : i32
        %sub3A_152 = arith.subi %add3A_150, %sub3A_151 : i32
        %mul3A_153 = arith.constant 80 : i32
        %mul3A_154 = arith.muli %sub3A_152, %mul3A_153 : i32
        %dma_start3A_155 = tpu.memref_slice %arg7[%mul3A_154] : memref<10000xi32, #tpu.memory_space<vmem>> -> memref<80xi32, #tpu.memory_space<vmem>>
        %dma_start3A_156 = arith.constant 0 : i32
        %dma_start3A_157 = arith.constant 0 : i32
        %dma_start3A_158 = tpu.memref_slice %arg2[%dma_start3A_156, %dma_start3A_157] : memref<10000x128xf32, #tpu.memory_space<hbm>> -> memref<10000x128xf32, #tpu.memory_space<hbm>>
        tpu.enqueue_indirect_dma source(%dma_start3A_158 : memref<10000x128xf32, #tpu.memory_space<hbm>>) target(%arg11 : memref<80x128xf32, #tpu.memory_space<vmem>>) offsets(%dma_start3A_155 : memref<80xi32, #tpu.memory_space<vmem>>) semaphore(%arg14 : memref<!tpu.dma_semaphore, #tpu.memory_space<semaphore_mem>>)
      } else {
      }
      %mul3A_97 = arith.constant 3 : i32
      %mul3A_98 = arith.muli %scan3A_73, %mul3A_97 : i32
      %add3A_99 = arith.constant 1 : i32
      %add3A_100 = arith.addi %mul3A_98, %add3A_99 : i32
      %dma_wait3A_101 = arith.constant 0 : i32
      %dma_wait3A_102 = tpu.memref_slice %arg7[%dma_wait3A_101] : memref<10000xi32, #tpu.memory_space<vmem>> -> memref<80xi32, #tpu.memory_space<vmem>>
      %dma_wait3A_103 = arith.constant 0 : i32
      %dma_wait3A_104 = arith.constant 0 : i32
      %dma_wait3A_105 = tpu.memref_slice %arg2[%dma_wait3A_103, %dma_wait3A_104] : memref<10000x128xf32, #tpu.memory_space<hbm>> -> memref<10000x128xf32, #tpu.memory_space<hbm>>
      tpu.wait_indirect_dma semaphore(%arg13 : memref<!tpu.dma_semaphore, #tpu.memory_space<semaphore_mem>>) src(%dma_wait3A_105 : memref<10000x128xf32, #tpu.memory_space<hbm>>) dst(%arg10 : memref<80x128xf32, #tpu.memory_space<vmem>>)
      %mul3A_106 = arith.constant 80 : i32
      %mul3A_107 = arith.muli %add3A_100, %mul3A_106 : i32
      %dma_start3A_108 = tpu.memref_slice %arg8[%mul3A_107] : memref<10000xi32, #tpu.memory_space<vmem>> -> memref<80xi32, #tpu.memory_space<vmem>>
      %dma_start3A_109 = arith.constant 0 : i32
      %dma_start3A_110 = arith.constant 0 : i32
      %dma_start3A_111 = tpu.memref_slice %arg6[%dma_start3A_109, %dma_start3A_110] : memref<10000x128xf32, #tpu.memory_space<vmem_shared>> -> memref<10000x128xf32, #tpu.memory_space<vmem_shared>>
      tpu.enqueue_indirect_dma source(%arg10 : memref<80x128xf32, #tpu.memory_space<vmem>>) target(%dma_start3A_111 : memref<10000x128xf32, #tpu.memory_space<vmem_shared>>) offsets(%dma_start3A_108 : memref<80xi32, #tpu.memory_space<vmem>>) semaphore(%arg16 : memref<!tpu.dma_semaphore, #tpu.memory_space<semaphore_mem>>) {add = true}
      %add3A_112 = arith.constant 3 : i32
      %add3A_113 = arith.addi %add3A_100, %add3A_112 : i32
      %sub3A_114 = arith.constant 1 : i32
      %sub3A_115 = arith.subi %add3A_113, %sub3A_114 : i32
      %lt3A_116 = arith.constant 125 : i32
      %lt3A_117 = arith.cmpi slt, %sub3A_115, %lt3A_116 : i32
      %convert_element_type3A_118 = arith.extui %lt3A_117 : i1 to i32
      %cond3A_119 = arith.constant 0 : i32
      %cond3A_120 = arith.cmpi ne, %convert_element_type3A_118, %cond3A_119 : i32
      scf.if %cond3A_120 {
        %ge3A = arith.constant 1 : i32
        %ge3A_145 = arith.cmpi sge, %add3A_100, %ge3A : i32
        %convert_element_type3A_146 = arith.extui %ge3A_145 : i1 to i32
        %cond3A_147 = arith.constant 0 : i32
        %cond3A_148 = arith.cmpi ne, %convert_element_type3A_146, %cond3A_147 : i32
        scf.if %cond3A_148 {
          %dma_wait3A_159 = arith.constant 0 : i32
          %dma_wait3A_160 = tpu.memref_slice %arg8[%dma_wait3A_159] : memref<10000xi32, #tpu.memory_space<vmem>> -> memref<80xi32, #tpu.memory_space<vmem>>
          %dma_wait3A_161 = arith.constant 0 : i32
          %dma_wait3A_162 = arith.constant 0 : i32
          %dma_wait3A_163 = tpu.memref_slice %arg6[%dma_wait3A_161, %dma_wait3A_162] : memref<10000x128xf32, #tpu.memory_space<vmem_shared>> -> memref<10000x128xf32, #tpu.memory_space<vmem_shared>>
          tpu.wait_indirect_dma semaphore(%arg15 : memref<!tpu.dma_semaphore, #tpu.memory_space<semaphore_mem>>) src(%arg9 : memref<80x128xf32, #tpu.memory_space<vmem>>) dst(%dma_wait3A_163 : memref<10000x128xf32, #tpu.memory_space<vmem_shared>>)
        } else {
        }
        %add3A_149 = arith.constant 3 : i32
        %add3A_150 = arith.addi %add3A_100, %add3A_149 : i32
        %sub3A_151 = arith.constant 1 : i32
        %sub3A_152 = arith.subi %add3A_150, %sub3A_151 : i32
        %mul3A_153 = arith.constant 80 : i32
        %mul3A_154 = arith.muli %sub3A_152, %mul3A_153 : i32
        %dma_start3A_155 = tpu.memref_slice %arg7[%mul3A_154] : memref<10000xi32, #tpu.memory_space<vmem>> -> memref<80xi32, #tpu.memory_space<vmem>>
        %dma_start3A_156 = arith.constant 0 : i32
        %dma_start3A_157 = arith.constant 0 : i32
        %dma_start3A_158 = tpu.memref_slice %arg2[%dma_start3A_156, %dma_start3A_157] : memref<10000x128xf32, #tpu.memory_space<hbm>> -> memref<10000x128xf32, #tpu.memory_space<hbm>>
        tpu.enqueue_indirect_dma source(%dma_start3A_158 : memref<10000x128xf32, #tpu.memory_space<hbm>>) target(%arg9 : memref<80x128xf32, #tpu.memory_space<vmem>>) offsets(%dma_start3A_155 : memref<80xi32, #tpu.memory_space<vmem>>) semaphore(%arg12 : memref<!tpu.dma_semaphore, #tpu.memory_space<semaphore_mem>>)
      } else {
      }
      %mul3A_121 = arith.constant 3 : i32
      %mul3A_122 = arith.muli %scan3A_73, %mul3A_121 : i32
      %add3A_123 = arith.constant 2 : i32
      %add3A_124 = arith.addi %mul3A_122, %add3A_123 : i32
      %dma_wait3A_125 = arith.constant 0 : i32
      %dma_wait3A_126 = tpu.memref_slice %arg7[%dma_wait3A_125] : memref<10000xi32, #tpu.memory_space<vmem>> -> memref<80xi32, #tpu.memory_space<vmem>>
      %dma_wait3A_127 = arith.constant 0 : i32
      %dma_wait3A_128 = arith.constant 0 : i32
      %dma_wait3A_129 = tpu.memref_slice %arg2[%dma_wait3A_127, %dma_wait3A_128] : memref<10000x128xf32, #tpu.memory_space<hbm>> -> memref<10000x128xf32, #tpu.memory_space<hbm>>
      tpu.wait_indirect_dma semaphore(%arg14 : memref<!tpu.dma_semaphore, #tpu.memory_space<semaphore_mem>>) src(%dma_wait3A_129 : memref<10000x128xf32, #tpu.memory_space<hbm>>) dst(%arg11 : memref<80x128xf32, #tpu.memory_space<vmem>>)
      %mul3A_130 = arith.constant 80 : i32
      %mul3A_131 = arith.muli %add3A_124, %mul3A_130 : i32
      %dma_start3A_132 = tpu.memref_slice %arg8[%mul3A_131] : memref<10000xi32, #tpu.memory_space<vmem>> -> memref<80xi32, #tpu.memory_space<vmem>>
      %dma_start3A_133 = arith.constant 0 : i32
      %dma_start3A_134 = arith.constant 0 : i32
      %dma_start3A_135 = tpu.memref_slice %arg6[%dma_start3A_133, %dma_start3A_134] : memref<10000x128xf32, #tpu.memory_space<vmem_shared>> -> memref<10000x128xf32, #tpu.memory_space<vmem_shared>>
      tpu.enqueue_indirect_dma source(%arg11 : memref<80x128xf32, #tpu.memory_space<vmem>>) target(%dma_start3A_135 : memref<10000x128xf32, #tpu.memory_space<vmem_shared>>) offsets(%dma_start3A_132 : memref<80xi32, #tpu.memory_space<vmem>>) semaphore(%arg17 : memref<!tpu.dma_semaphore, #tpu.memory_space<semaphore_mem>>) {add = true}
      %add3A_136 = arith.constant 3 : i32
      %add3A_137 = arith.addi %add3A_124, %add3A_136 : i32
      %sub3A_138 = arith.constant 1 : i32
      %sub3A_139 = arith.subi %add3A_137, %sub3A_138 : i32
      %lt3A_140 = arith.constant 125 : i32
      %lt3A_141 = arith.cmpi slt, %sub3A_139, %lt3A_140 : i32
      %convert_element_type3A_142 = arith.extui %lt3A_141 : i1 to i32
      %cond3A_143 = arith.constant 0 : i32
      %cond3A_144 = arith.cmpi ne, %convert_element_type3A_142, %cond3A_143 : i32
      scf.if %cond3A_144 {
        %ge3A = arith.constant 1 : i32
        %ge3A_145 = arith.cmpi sge, %add3A_124, %ge3A : i32
        %convert_element_type3A_146 = arith.extui %ge3A_145 : i1 to i32
        %cond3A_147 = arith.constant 0 : i32
        %cond3A_148 = arith.cmpi ne, %convert_element_type3A_146, %cond3A_147 : i32
        scf.if %cond3A_148 {
          %dma_wait3A_159 = arith.constant 0 : i32
          %dma_wait3A_160 = tpu.memref_slice %arg8[%dma_wait3A_159] : memref<10000xi32, #tpu.memory_space<vmem>> -> memref<80xi32, #tpu.memory_space<vmem>>
          %dma_wait3A_161 = arith.constant 0 : i32
          %dma_wait3A_162 = arith.constant 0 : i32
          %dma_wait3A_163 = tpu.memref_slice %arg6[%dma_wait3A_161, %dma_wait3A_162] : memref<10000x128xf32, #tpu.memory_space<vmem_shared>> -> memref<10000x128xf32, #tpu.memory_space<vmem_shared>>
          tpu.wait_indirect_dma semaphore(%arg16 : memref<!tpu.dma_semaphore, #tpu.memory_space<semaphore_mem>>) src(%arg10 : memref<80x128xf32, #tpu.memory_space<vmem>>) dst(%dma_wait3A_163 : memref<10000x128xf32, #tpu.memory_space<vmem_shared>>)
        } else {
        }
        %add3A_149 = arith.constant 3 : i32
        %add3A_150 = arith.addi %add3A_124, %add3A_149 : i32
        %sub3A_151 = arith.constant 1 : i32
        %sub3A_152 = arith.subi %add3A_150, %sub3A_151 : i32
        %mul3A_153 = arith.constant 80 : i32
        %mul3A_154 = arith.muli %sub3A_152, %mul3A_153 : i32
        %dma_start3A_155 = tpu.memref_slice %arg7[%mul3A_154] : memref<10000xi32, #tpu.memory_space<vmem>> -> memref<80xi32, #tpu.memory_space<vmem>>
        %dma_start3A_156 = arith.constant 0 : i32
        %dma_start3A_157 = arith.constant 0 : i32
        %dma_start3A_158 = tpu.memref_slice %arg2[%dma_start3A_156, %dma_start3A_157] : memref<10000x128xf32, #tpu.memory_space<hbm>> -> memref<10000x128xf32, #tpu.memory_space<hbm>>
        tpu.enqueue_indirect_dma source(%dma_start3A_158 : memref<10000x128xf32, #tpu.memory_space<hbm>>) target(%arg10 : memref<80x128xf32, #tpu.memory_space<vmem>>) offsets(%dma_start3A_155 : memref<80xi32, #tpu.memory_space<vmem>>) semaphore(%arg13 : memref<!tpu.dma_semaphore, #tpu.memory_space<semaphore_mem>>)
      } else {
      }
    }
    %scan3A_31 = arith.constant 41 : i32
    %dma_wait3A_32 = arith.constant 0 : i32
    %dma_wait3A_33 = tpu.memref_slice %arg7[%dma_wait3A_32] : memref<10000xi32, #tpu.memory_space<vmem>> -> memref<80xi32, #tpu.memory_space<vmem>>
    %dma_wait3A_34 = arith.constant 0 : i32
    %dma_wait3A_35 = arith.constant 0 : i32
    %dma_wait3A_36 = tpu.memref_slice %arg2[%dma_wait3A_34, %dma_wait3A_35] : memref<10000x128xf32, #tpu.memory_space<hbm>> -> memref<10000x128xf32, #tpu.memory_space<hbm>>
    tpu.wait_indirect_dma semaphore(%arg12 : memref<!tpu.dma_semaphore, #tpu.memory_space<semaphore_mem>>) src(%dma_wait3A_36 : memref<10000x128xf32, #tpu.memory_space<hbm>>) dst(%arg9 : memref<80x128xf32, #tpu.memory_space<vmem>>)
    %dma_start3A_37 = arith.constant 9840 : i32
    %dma_start3A_38 = tpu.memref_slice %arg8[%dma_start3A_37] : memref<10000xi32, #tpu.memory_space<vmem>> -> memref<80xi32, #tpu.memory_space<vmem>>
    %dma_start3A_39 = arith.constant 0 : i32
    %dma_start3A_40 = arith.constant 0 : i32
    %dma_start3A_41 = tpu.memref_slice %arg6[%dma_start3A_39, %dma_start3A_40] : memref<10000x128xf32, #tpu.memory_space<vmem_shared>> -> memref<10000x128xf32, #tpu.memory_space<vmem_shared>>
    tpu.enqueue_indirect_dma source(%arg9 : memref<80x128xf32, #tpu.memory_space<vmem>>) target(%dma_start3A_41 : memref<10000x128xf32, #tpu.memory_space<vmem_shared>>) offsets(%dma_start3A_38 : memref<80xi32, #tpu.memory_space<vmem>>) semaphore(%arg15 : memref<!tpu.dma_semaphore, #tpu.memory_space<semaphore_mem>>) {add = true}
    %dma_wait3A_42 = arith.constant 0 : i32
    %dma_wait3A_43 = tpu.memref_slice %arg7[%dma_wait3A_42] : memref<10000xi32, #tpu.memory_space<vmem>> -> memref<80xi32, #tpu.memory_space<vmem>>
    %dma_wait3A_44 = arith.constant 0 : i32
    %dma_wait3A_45 = arith.constant 0 : i32
    %dma_wait3A_46 = tpu.memref_slice %arg2[%dma_wait3A_44, %dma_wait3A_45] : memref<10000x128xf32, #tpu.memory_space<hbm>> -> memref<10000x128xf32, #tpu.memory_space<hbm>>
    tpu.wait_indirect_dma semaphore(%arg13 : memref<!tpu.dma_semaphore, #tpu.memory_space<semaphore_mem>>) src(%dma_wait3A_46 : memref<10000x128xf32, #tpu.memory_space<hbm>>) dst(%arg10 : memref<80x128xf32, #tpu.memory_space<vmem>>)
    %dma_start3A_47 = arith.constant 9920 : i32
    %dma_start3A_48 = tpu.memref_slice %arg8[%dma_start3A_47] : memref<10000xi32, #tpu.memory_space<vmem>> -> memref<80xi32, #tpu.memory_space<vmem>>
    %dma_start3A_49 = arith.constant 0 : i32
    %dma_start3A_50 = arith.constant 0 : i32
    %dma_start3A_51 = tpu.memref_slice %arg6[%dma_start3A_49, %dma_start3A_50] : memref<10000x128xf32, #tpu.memory_space<vmem_shared>> -> memref<10000x128xf32, #tpu.memory_space<vmem_shared>>
    tpu.enqueue_indirect_dma source(%arg10 : memref<80x128xf32, #tpu.memory_space<vmem>>) target(%dma_start3A_51 : memref<10000x128xf32, #tpu.memory_space<vmem_shared>>) offsets(%dma_start3A_48 : memref<80xi32, #tpu.memory_space<vmem>>) semaphore(%arg16 : memref<!tpu.dma_semaphore, #tpu.memory_space<semaphore_mem>>) {add = true}
    %dma_wait3A_52 = arith.constant 0 : i32
    %dma_wait3A_53 = tpu.memref_slice %arg8[%dma_wait3A_52] : memref<10000xi32, #tpu.memory_space<vmem>> -> memref<80xi32, #tpu.memory_space<vmem>>
    %dma_wait3A_54 = arith.constant 0 : i32
    %dma_wait3A_55 = arith.constant 0 : i32
    %dma_wait3A_56 = tpu.memref_slice %arg6[%dma_wait3A_54, %dma_wait3A_55] : memref<10000x128xf32, #tpu.memory_space<vmem_shared>> -> memref<10000x128xf32, #tpu.memory_space<vmem_shared>>
    tpu.wait_indirect_dma semaphore(%arg15 : memref<!tpu.dma_semaphore, #tpu.memory_space<semaphore_mem>>) src(%arg9 : memref<80x128xf32, #tpu.memory_space<vmem>>) dst(%dma_wait3A_56 : memref<10000x128xf32, #tpu.memory_space<vmem_shared>>)
    %dma_wait3A_57 = arith.constant 0 : i32
    %dma_wait3A_58 = tpu.memref_slice %arg8[%dma_wait3A_57] : memref<10000xi32, #tpu.memory_space<vmem>> -> memref<80xi32, #tpu.memory_space<vmem>>
    %dma_wait3A_59 = arith.constant 0 : i32
    %dma_wait3A_60 = arith.constant 0 : i32
    %dma_wait3A_61 = tpu.memref_slice %arg6[%dma_wait3A_59, %dma_wait3A_60] : memref<10000x128xf32, #tpu.memory_space<vmem_shared>> -> memref<10000x128xf32, #tpu.memory_space<vmem_shared>>
    tpu.wait_indirect_dma semaphore(%arg16 : memref<!tpu.dma_semaphore, #tpu.memory_space<semaphore_mem>>) src(%arg10 : memref<80x128xf32, #tpu.memory_space<vmem>>) dst(%dma_wait3A_61 : memref<10000x128xf32, #tpu.memory_space<vmem_shared>>)
    %dma_wait3A_62 = arith.constant 0 : i32
    %dma_wait3A_63 = tpu.memref_slice %arg8[%dma_wait3A_62] : memref<10000xi32, #tpu.memory_space<vmem>> -> memref<80xi32, #tpu.memory_space<vmem>>
    %dma_wait3A_64 = arith.constant 0 : i32
    %dma_wait3A_65 = arith.constant 0 : i32
    %dma_wait3A_66 = tpu.memref_slice %arg6[%dma_wait3A_64, %dma_wait3A_65] : memref<10000x128xf32, #tpu.memory_space<vmem_shared>> -> memref<10000x128xf32, #tpu.memory_space<vmem_shared>>
    tpu.wait_indirect_dma semaphore(%arg17 : memref<!tpu.dma_semaphore, #tpu.memory_space<semaphore_mem>>) src(%arg11 : memref<80x128xf32, #tpu.memory_space<vmem>>) dst(%dma_wait3A_66 : memref<10000x128xf32, #tpu.memory_space<vmem_shared>>)
    %barrier3A_67 = arith.constant 0 : index
    tpu.barrier barrier_id(%barrier3A_67)
    %lt3A_68 = arith.constant 10 : i32
    %lt3A_69 = arith.cmpi slt, %arg1, %lt3A_68 : i32
    %convert_element_type3A_70 = arith.extui %lt3A_69 : i1 to i32
    %cond3A_71 = arith.constant 0 : i32
    %cond3A_72 = arith.cmpi ne, %convert_element_type3A_70, %cond3A_71 : i32
    scf.if %cond3A_72 {
      %mul3A_73 = arith.constant 10000 : i32
      %mul3A_74 = arith.muli %arg0, %mul3A_73 : i32
      %add3A_75 = arith.addi %mul3A_74, %mul3A_0 : i32
      "tpu.region"() ({
        %run_scoped3A = tpu.sem_alloc : memref<!tpu.dma_semaphore, #tpu.memory_space<semaphore_mem>>
        %dma_start3A_76 = arith.constant 0 : i32
        %dma_start3A_77 = tpu.memref_slice %arg5[%add3A_75, %dma_start3A_76] : memref<20000x128xf32, #tpu.memory_space<hbm>> -> memref<1000x128xf32, #tpu.memory_space<hbm>>
        %dma_start3A_78 = arith.constant 0 : i32
        %dma_start3A_79 = tpu.memref_slice %arg6[%mul3A_0, %dma_start3A_78] : memref<10000x128xf32, #tpu.memory_space<vmem_shared>> -> memref<1000x128xf32, #tpu.memory_space<vmem_shared>>
        tpu.enqueue_dma source(%dma_start3A_79 : memref<1000x128xf32, #tpu.memory_space<vmem_shared>>) target(%dma_start3A_77 : memref<1000x128xf32, #tpu.memory_space<hbm>>) target_semaphore(%run_scoped3A : memref<!tpu.dma_semaphore, #tpu.memory_space<semaphore_mem>>)
        %dma_wait3A_80 = arith.constant 0 : i32
        %dma_wait3A_81 = tpu.memref_slice %arg5[%add3A_75, %dma_wait3A_80] : memref<20000x128xf32, #tpu.memory_space<hbm>> -> memref<1000x128xf32, #tpu.memory_space<hbm>>
        %dma_wait3A_82 = arith.constant 0 : i32
        %dma_wait3A_83 = tpu.memref_slice %arg6[%mul3A_0, %dma_wait3A_82] : memref<10000x128xf32, #tpu.memory_space<vmem_shared>> -> memref<1000x128xf32, #tpu.memory_space<vmem_shared>>
        tpu.wait_dma2 semaphore(%run_scoped3A : memref<!tpu.dma_semaphore, #tpu.memory_space<semaphore_mem>>) src(%dma_wait3A_83 : memref<1000x128xf32, #tpu.memory_space<vmem_shared>>) dst(%dma_wait3A_81 : memref<1000x128xf32, #tpu.memory_space<hbm>>)
        tpu.yield
      }) : () -> ()
    } else {
    }
    return
  }
}

#map = affine_map<(d0, d1) -> (0, 0)>
#map1 = affine_map<(d0, d1) -> (0)>
module attributes {stable_mosaic.version = 14 : i64} {
  func.func @_agg_body(%arg0: i32, %arg1: i32, %arg2: memref<10000x128xf32, #tpu.memory_space<hbm>>, %arg3: memref<640000xi32, #tpu.memory_space<hbm>>, %arg4: memref<1000x128xf32, #tpu.memory_space<hbm>>, %arg5: memref<20000x128xf32, #tpu.memory_space<hbm>>, %arg6: memref<10000x128xf32, #tpu.memory_space<vmem_shared>>, %arg7: memref<10000xi32, #tpu.memory_space<vmem>>, %arg8: memref<10000xi32, #tpu.memory_space<vmem>>, %arg9: memref<80x128xf32, #tpu.memory_space<vmem>>, %arg10: memref<80x128xf32, #tpu.memory_space<vmem>>, %arg11: memref<80x128xf32, #tpu.memory_space<vmem>>, %arg12: memref<!tpu.dma_semaphore, #tpu.memory_space<semaphore_mem>>, %arg13: memref<!tpu.dma_semaphore, #tpu.memory_space<semaphore_mem>>, %arg14: memref<!tpu.dma_semaphore, #tpu.memory_space<semaphore_mem>>, %arg15: memref<!tpu.dma_semaphore, #tpu.memory_space<semaphore_mem>>, %arg16: memref<!tpu.dma_semaphore, #tpu.memory_space<semaphore_mem>>, %arg17: memref<!tpu.dma_semaphore, #tpu.memory_space<semaphore_mem>>) attributes {dimension_semantics = [#tpu.dimension_semantics<core_parallel>, #tpu.dimension_semantics<subcore_parallel>], iteration_bounds = array<i64: 2, 16>, scalar_prefetch = 0 : i64, scratch_operands = 12 : i64, tpu.core_type = #tpu.core_type<sc_vector_subcore>, window_params = [{transform_indices = #map}, {transform_indices = #map1}, {transform_indices = #map}, {transform_indices = #map}]} {
    %mul3A = arith.constant 1000 : i32
    %mul3A_0 = arith.muli %arg1, %mul3A : i32
    %mul3A_1 = arith.constant 160000 : i32
    %mul3A_2 = arith.muli %arg0, %mul3A_1 : i32
    %mul3A_3 = arith.constant 10000 : i32
    %mul3A_4 = arith.muli %arg1, %mul3A_3 : i32
    %add3A = arith.addi %mul3A_2, %mul3A_4 : i32
    %dma_start3A = tpu.memref_slice %arg3[%add3A] : memref<640000xi32, #tpu.memory_space<hbm>> -> memref<10000xi32, #tpu.memory_space<hbm>>
    %dma_start3A_5 = tpu.memref_slice %arg3[%add3A] : memref<640000xi32, #tpu.memory_space<hbm>> -> memref<10000xi32, #tpu.memory_space<hbm>>
    tpu.enqueue_dma source(%dma_start3A_5 : memref<10000xi32, #tpu.memory_space<hbm>>) target(%arg7 : memref<10000xi32, #tpu.memory_space<vmem>>) target_semaphore(%arg12 : memref<!tpu.dma_semaphore, #tpu.memory_space<semaphore_mem>>)
    %add3A_6 = arith.constant 320000 : i32
    %add3A_7 = arith.addi %add3A_6, %add3A : i32
    %dma_start3A_8 = tpu.memref_slice %arg3[%add3A_7] : memref<640000xi32, #tpu.memory_space<hbm>> -> memref<10000xi32, #tpu.memory_space<hbm>>
    %dma_start3A_9 = tpu.memref_slice %arg3[%add3A_7] : memref<640000xi32, #tpu.memory_space<hbm>> -> memref<10000xi32, #tpu.memory_space<hbm>>
    tpu.enqueue_dma source(%dma_start3A_9 : memref<10000xi32, #tpu.memory_space<hbm>>) target(%arg8 : memref<10000xi32, #tpu.memory_space<vmem>>) target_semaphore(%arg13 : memref<!tpu.dma_semaphore, #tpu.memory_space<semaphore_mem>>)
    %lt3A = arith.constant 10 : i32
    %lt3A_10 = arith.cmpi slt, %arg1, %lt3A : i32
    %convert_element_type3A = arith.extui %lt3A_10 : i1 to i32
    %cond3A = arith.constant 0 : i32
    %cond3A_11 = arith.cmpi ne, %convert_element_type3A, %cond3A : i32
    scf.if %cond3A_11 {
      "tpu.region"() ({
        %run_scoped3A = tpu.sem_alloc : memref<!tpu.dma_semaphore, #tpu.memory_space<semaphore_mem>>
        %dma_start3A_73 = arith.constant 0 : i32
        %dma_start3A_74 = tpu.memref_slice %arg6[%mul3A_0, %dma_start3A_73] : memref<10000x128xf32, #tpu.memory_space<vmem_shared>> -> memref<1000x128xf32, #tpu.memory_space<vmem_shared>>
        tpu.enqueue_dma source(%arg4 : memref<1000x128xf32, #tpu.memory_space<hbm>>) target(%dma_start3A_74 : memref<1000x128xf32, #tpu.memory_space<vmem_shared>>) target_semaphore(%run_scoped3A : memref<!tpu.dma_semaphore, #tpu.memory_space<semaphore_mem>>)
        %dma_wait3A_75 = arith.constant 0 : i32
        %dma_wait3A_76 = tpu.memref_slice %arg6[%mul3A_0, %dma_wait3A_75] : memref<10000x128xf32, #tpu.memory_space<vmem_shared>> -> memref<1000x128xf32, #tpu.memory_space<vmem_shared>>
        tpu.wait_dma2 semaphore(%run_scoped3A : memref<!tpu.dma_semaphore, #tpu.memory_space<semaphore_mem>>) src(%arg4 : memref<1000x128xf32, #tpu.memory_space<hbm>>) dst(%dma_wait3A_76 : memref<1000x128xf32, #tpu.memory_space<vmem_shared>>)
        tpu.yield
      }) : () -> ()
    } else {
    }
    %dma_wait3A = tpu.memref_slice %arg3[%add3A] : memref<640000xi32, #tpu.memory_space<hbm>> -> memref<10000xi32, #tpu.memory_space<hbm>>
    %dma_wait3A_12 = tpu.memref_slice %arg3[%add3A] : memref<640000xi32, #tpu.memory_space<hbm>> -> memref<10000xi32, #tpu.memory_space<hbm>>
    tpu.wait_dma2 semaphore(%arg12 : memref<!tpu.dma_semaphore, #tpu.memory_space<semaphore_mem>>) src(%dma_wait3A_12 : memref<10000xi32, #tpu.memory_space<hbm>>) dst(%arg7 : memref<10000xi32, #tpu.memory_space<vmem>>)
    %add3A_13 = arith.constant 320000 : i32
    %add3A_14 = arith.addi %add3A_13, %add3A : i32
    %dma_wait3A_15 = tpu.memref_slice %arg3[%add3A_14] : memref<640000xi32, #tpu.memory_space<hbm>> -> memref<10000xi32, #tpu.memory_space<hbm>>
    %dma_wait3A_16 = tpu.memref_slice %arg3[%add3A_14] : memref<640000xi32, #tpu.memory_space<hbm>> -> memref<10000xi32, #tpu.memory_space<hbm>>
    tpu.wait_dma2 semaphore(%arg13 : memref<!tpu.dma_semaphore, #tpu.memory_space<semaphore_mem>>) src(%dma_wait3A_16 : memref<10000xi32, #tpu.memory_space<hbm>>) dst(%arg8 : memref<10000xi32, #tpu.memory_space<vmem>>)
    %dma_start3A_17 = arith.constant 0 : i32
    %dma_start3A_18 = tpu.memref_slice %arg7[%dma_start3A_17] : memref<10000xi32, #tpu.memory_space<vmem>> -> memref<80xi32, #tpu.memory_space<vmem>>
    %dma_start3A_19 = arith.constant 0 : i32
    %dma_start3A_20 = arith.constant 0 : i32
    %dma_start3A_21 = tpu.memref_slice %arg2[%dma_start3A_19, %dma_start3A_20] : memref<10000x128xf32, #tpu.memory_space<hbm>> -> memref<10000x128xf32, #tpu.memory_space<hbm>>
    tpu.enqueue_indirect_dma source(%dma_start3A_21 : memref<10000x128xf32, #tpu.memory_space<hbm>>) target(%arg9 : memref<80x128xf32, #tpu.memory_space<vmem>>) offsets(%dma_start3A_18 : memref<80xi32, #tpu.memory_space<vmem>>) semaphore(%arg12 : memref<!tpu.dma_semaphore, #tpu.memory_space<semaphore_mem>>)
    %dma_start3A_22 = arith.constant 80 : i32
    %dma_start3A_23 = tpu.memref_slice %arg7[%dma_start3A_22] : memref<10000xi32, #tpu.memory_space<vmem>> -> memref<80xi32, #tpu.memory_space<vmem>>
    %dma_start3A_24 = arith.constant 0 : i32
    %dma_start3A_25 = arith.constant 0 : i32
    %dma_start3A_26 = tpu.memref_slice %arg2[%dma_start3A_24, %dma_start3A_25] : memref<10000x128xf32, #tpu.memory_space<hbm>> -> memref<10000x128xf32, #tpu.memory_space<hbm>>
    tpu.enqueue_indirect_dma source(%dma_start3A_26 : memref<10000x128xf32, #tpu.memory_space<hbm>>) target(%arg10 : memref<80x128xf32, #tpu.memory_space<vmem>>) offsets(%dma_start3A_23 : memref<80xi32, #tpu.memory_space<vmem>>) semaphore(%arg13 : memref<!tpu.dma_semaphore, #tpu.memory_space<semaphore_mem>>)
    %barrier3A = arith.constant 0 : index
    tpu.barrier barrier_id(%barrier3A)
    %scan3A = arith.constant 0 : i32
    %scan3A_27 = arith.constant 0 : i32
    %scan3A_28 = arith.constant 41 : i32
    %scan3A_29 = arith.addi %scan3A_27, %scan3A_28 : i32
    %scan3A_30 = arith.constant 1 : i32
    scf.for %scan3A_73 = %scan3A_27 to %scan3A_29 step %scan3A_30  : i32 {
      %mul3A_74 = arith.constant 3 : i32
      %mul3A_75 = arith.muli %scan3A_73, %mul3A_74 : i32
      %add3A_76 = arith.constant 0 : i32
      %add3A_77 = arith.addi %mul3A_75, %add3A_76 : i32
      %dma_wait3A_78 = arith.constant 0 : i32
      %dma_wait3A_79 = tpu.memref_slice %arg7[%dma_wait3A_78] : memref<10000xi32, #tpu.memory_space<vmem>> -> memref<80xi32, #tpu.memory_space<vmem>>
      %dma_wait3A_80 = arith.constant 0 : i32
      %dma_wait3A_81 = arith.constant 0 : i32
      %dma_wait3A_82 = tpu.memref_slice %arg2[%dma_wait3A_80, %dma_wait3A_81] : memref<10000x128xf32, #tpu.memory_space<hbm>> -> memref<10000x128xf32, #tpu.memory_space<hbm>>
      tpu.wait_indirect_dma semaphore(%arg12 : memref<!tpu.dma_semaphore, #tpu.memory_space<semaphore_mem>>) src(%dma_wait3A_82 : memref<10000x128xf32, #tpu.memory_space<hbm>>) dst(%arg9 : memref<80x128xf32, #tpu.memory_space<vmem>>)
      %mul3A_83 = arith.constant 80 : i32
      %mul3A_84 = arith.muli %add3A_77, %mul3A_83 : i32
      %dma_start3A_85 = tpu.memref_slice %arg8[%mul3A_84] : memref<10000xi32, #tpu.memory_space<vmem>> -> memref<80xi32, #tpu.memory_space<vmem>>
      %dma_start3A_86 = arith.constant 0 : i32
      %dma_start3A_87 = arith.constant 0 : i32
      %dma_start3A_88 = tpu.memref_slice %arg6[%dma_start3A_86, %dma_start3A_87] : memref<10000x128xf32, #tpu.memory_space<vmem_shared>> -> memref<10000x128xf32, #tpu.memory_space<vmem_shared>>
      tpu.enqueue_indirect_dma source(%arg9 : memref<80x128xf32, #tpu.memory_space<vmem>>) target(%dma_start3A_88 : memref<10000x128xf32, #tpu.memory_space<vmem_shared>>) offsets(%dma_start3A_85 : memref<80xi32, #tpu.memory_space<vmem>>) semaphore(%arg15 : memref<!tpu.dma_semaphore, #tpu.memory_space<semaphore_mem>>) {add = true}
      %add3A_89 = arith.constant 3 : i32
      %add3A_90 = arith.addi %add3A_77, %add3A_89 : i32
      %sub3A = arith.constant 1 : i32
      %sub3A_91 = arith.subi %add3A_90, %sub3A : i32
      %lt3A_92 = arith.constant 125 : i32
      %lt3A_93 = arith.cmpi slt, %sub3A_91, %lt3A_92 : i32
      %convert_element_type3A_94 = arith.extui %lt3A_93 : i1 to i32
      %cond3A_95 = arith.constant 0 : i32
      %cond3A_96 = arith.cmpi ne, %convert_element_type3A_94, %cond3A_95 : i32
      scf.if %cond3A_96 {
        %ge3A = arith.constant 1 : i32
        %ge3A_145 = arith.cmpi sge, %add3A_77, %ge3A : i32
        %convert_element_type3A_146 = arith.extui %ge3A_145 : i1 to i32
        %cond3A_147 = arith.constant 0 : i32
        %cond3A_148 = arith.cmpi ne, %convert_element_type3A_146, %cond3A_147 : i32
        scf.if %cond3A_148 {
          %dma_wait3A_159 = arith.constant 0 : i32
          %dma_wait3A_160 = tpu.memref_slice %arg8[%dma_wait3A_159] : memref<10000xi32, #tpu.memory_space<vmem>> -> memref<80xi32, #tpu.memory_space<vmem>>
          %dma_wait3A_161 = arith.constant 0 : i32
          %dma_wait3A_162 = arith.constant 0 : i32
          %dma_wait3A_163 = tpu.memref_slice %arg6[%dma_wait3A_161, %dma_wait3A_162] : memref<10000x128xf32, #tpu.memory_space<vmem_shared>> -> memref<10000x128xf32, #tpu.memory_space<vmem_shared>>
          tpu.wait_indirect_dma semaphore(%arg17 : memref<!tpu.dma_semaphore, #tpu.memory_space<semaphore_mem>>) src(%arg11 : memref<80x128xf32, #tpu.memory_space<vmem>>) dst(%dma_wait3A_163 : memref<10000x128xf32, #tpu.memory_space<vmem_shared>>)
        } else {
        }
        %add3A_149 = arith.constant 3 : i32
        %add3A_150 = arith.addi %add3A_77, %add3A_149 : i32
        %sub3A_151 = arith.constant 1 : i32
        %sub3A_152 = arith.subi %add3A_150, %sub3A_151 : i32
        %mul3A_153 = arith.constant 80 : i32
        %mul3A_154 = arith.muli %sub3A_152, %mul3A_153 : i32
        %dma_start3A_155 = tpu.memref_slice %arg7[%mul3A_154] : memref<10000xi32, #tpu.memory_space<vmem>> -> memref<80xi32, #tpu.memory_space<vmem>>
        %dma_start3A_156 = arith.constant 0 : i32
        %dma_start3A_157 = arith.constant 0 : i32
        %dma_start3A_158 = tpu.memref_slice %arg2[%dma_start3A_156, %dma_start3A_157] : memref<10000x128xf32, #tpu.memory_space<hbm>> -> memref<10000x128xf32, #tpu.memory_space<hbm>>
        tpu.enqueue_indirect_dma source(%dma_start3A_158 : memref<10000x128xf32, #tpu.memory_space<hbm>>) target(%arg11 : memref<80x128xf32, #tpu.memory_space<vmem>>) offsets(%dma_start3A_155 : memref<80xi32, #tpu.memory_space<vmem>>) semaphore(%arg14 : memref<!tpu.dma_semaphore, #tpu.memory_space<semaphore_mem>>)
      } else {
      }
      %mul3A_97 = arith.constant 3 : i32
      %mul3A_98 = arith.muli %scan3A_73, %mul3A_97 : i32
      %add3A_99 = arith.constant 1 : i32
      %add3A_100 = arith.addi %mul3A_98, %add3A_99 : i32
      %dma_wait3A_101 = arith.constant 0 : i32
      %dma_wait3A_102 = tpu.memref_slice %arg7[%dma_wait3A_101] : memref<10000xi32, #tpu.memory_space<vmem>> -> memref<80xi32, #tpu.memory_space<vmem>>
      %dma_wait3A_103 = arith.constant 0 : i32
      %dma_wait3A_104 = arith.constant 0 : i32
      %dma_wait3A_105 = tpu.memref_slice %arg2[%dma_wait3A_103, %dma_wait3A_104] : memref<10000x128xf32, #tpu.memory_space<hbm>> -> memref<10000x128xf32, #tpu.memory_space<hbm>>
      tpu.wait_indirect_dma semaphore(%arg13 : memref<!tpu.dma_semaphore, #tpu.memory_space<semaphore_mem>>) src(%dma_wait3A_105 : memref<10000x128xf32, #tpu.memory_space<hbm>>) dst(%arg10 : memref<80x128xf32, #tpu.memory_space<vmem>>)
      %mul3A_106 = arith.constant 80 : i32
      %mul3A_107 = arith.muli %add3A_100, %mul3A_106 : i32
      %dma_start3A_108 = tpu.memref_slice %arg8[%mul3A_107] : memref<10000xi32, #tpu.memory_space<vmem>> -> memref<80xi32, #tpu.memory_space<vmem>>
      %dma_start3A_109 = arith.constant 0 : i32
      %dma_start3A_110 = arith.constant 0 : i32
      %dma_start3A_111 = tpu.memref_slice %arg6[%dma_start3A_109, %dma_start3A_110] : memref<10000x128xf32, #tpu.memory_space<vmem_shared>> -> memref<10000x128xf32, #tpu.memory_space<vmem_shared>>
      tpu.enqueue_indirect_dma source(%arg10 : memref<80x128xf32, #tpu.memory_space<vmem>>) target(%dma_start3A_111 : memref<10000x128xf32, #tpu.memory_space<vmem_shared>>) offsets(%dma_start3A_108 : memref<80xi32, #tpu.memory_space<vmem>>) semaphore(%arg16 : memref<!tpu.dma_semaphore, #tpu.memory_space<semaphore_mem>>) {add = true}
      %add3A_112 = arith.constant 3 : i32
      %add3A_113 = arith.addi %add3A_100, %add3A_112 : i32
      %sub3A_114 = arith.constant 1 : i32
      %sub3A_115 = arith.subi %add3A_113, %sub3A_114 : i32
      %lt3A_116 = arith.constant 125 : i32
      %lt3A_117 = arith.cmpi slt, %sub3A_115, %lt3A_116 : i32
      %convert_element_type3A_118 = arith.extui %lt3A_117 : i1 to i32
      %cond3A_119 = arith.constant 0 : i32
      %cond3A_120 = arith.cmpi ne, %convert_element_type3A_118, %cond3A_119 : i32
      scf.if %cond3A_120 {
        %ge3A = arith.constant 1 : i32
        %ge3A_145 = arith.cmpi sge, %add3A_100, %ge3A : i32
        %convert_element_type3A_146 = arith.extui %ge3A_145 : i1 to i32
        %cond3A_147 = arith.constant 0 : i32
        %cond3A_148 = arith.cmpi ne, %convert_element_type3A_146, %cond3A_147 : i32
        scf.if %cond3A_148 {
          %dma_wait3A_159 = arith.constant 0 : i32
          %dma_wait3A_160 = tpu.memref_slice %arg8[%dma_wait3A_159] : memref<10000xi32, #tpu.memory_space<vmem>> -> memref<80xi32, #tpu.memory_space<vmem>>
          %dma_wait3A_161 = arith.constant 0 : i32
          %dma_wait3A_162 = arith.constant 0 : i32
          %dma_wait3A_163 = tpu.memref_slice %arg6[%dma_wait3A_161, %dma_wait3A_162] : memref<10000x128xf32, #tpu.memory_space<vmem_shared>> -> memref<10000x128xf32, #tpu.memory_space<vmem_shared>>
          tpu.wait_indirect_dma semaphore(%arg15 : memref<!tpu.dma_semaphore, #tpu.memory_space<semaphore_mem>>) src(%arg9 : memref<80x128xf32, #tpu.memory_space<vmem>>) dst(%dma_wait3A_163 : memref<10000x128xf32, #tpu.memory_space<vmem_shared>>)
        } else {
        }
        %add3A_149 = arith.constant 3 : i32
        %add3A_150 = arith.addi %add3A_100, %add3A_149 : i32
        %sub3A_151 = arith.constant 1 : i32
        %sub3A_152 = arith.subi %add3A_150, %sub3A_151 : i32
        %mul3A_153 = arith.constant 80 : i32
        %mul3A_154 = arith.muli %sub3A_152, %mul3A_153 : i32
        %dma_start3A_155 = tpu.memref_slice %arg7[%mul3A_154] : memref<10000xi32, #tpu.memory_space<vmem>> -> memref<80xi32, #tpu.memory_space<vmem>>
        %dma_start3A_156 = arith.constant 0 : i32
        %dma_start3A_157 = arith.constant 0 : i32
        %dma_start3A_158 = tpu.memref_slice %arg2[%dma_start3A_156, %dma_start3A_157] : memref<10000x128xf32, #tpu.memory_space<hbm>> -> memref<10000x128xf32, #tpu.memory_space<hbm>>
        tpu.enqueue_indirect_dma source(%dma_start3A_158 : memref<10000x128xf32, #tpu.memory_space<hbm>>) target(%arg9 : memref<80x128xf32, #tpu.memory_space<vmem>>) offsets(%dma_start3A_155 : memref<80xi32, #tpu.memory_space<vmem>>) semaphore(%arg12 : memref<!tpu.dma_semaphore, #tpu.memory_space<semaphore_mem>>)
      } else {
      }
      %mul3A_121 = arith.constant 3 : i32
      %mul3A_122 = arith.muli %scan3A_73, %mul3A_121 : i32
      %add3A_123 = arith.constant 2 : i32
      %add3A_124 = arith.addi %mul3A_122, %add3A_123 : i32
      %dma_wait3A_125 = arith.constant 0 : i32
      %dma_wait3A_126 = tpu.memref_slice %arg7[%dma_wait3A_125] : memref<10000xi32, #tpu.memory_space<vmem>> -> memref<80xi32, #tpu.memory_space<vmem>>
      %dma_wait3A_127 = arith.constant 0 : i32
      %dma_wait3A_128 = arith.constant 0 : i32
      %dma_wait3A_129 = tpu.memref_slice %arg2[%dma_wait3A_127, %dma_wait3A_128] : memref<10000x128xf32, #tpu.memory_space<hbm>> -> memref<10000x128xf32, #tpu.memory_space<hbm>>
      tpu.wait_indirect_dma semaphore(%arg14 : memref<!tpu.dma_semaphore, #tpu.memory_space<semaphore_mem>>) src(%dma_wait3A_129 : memref<10000x128xf32, #tpu.memory_space<hbm>>) dst(%arg11 : memref<80x128xf32, #tpu.memory_space<vmem>>)
      %mul3A_130 = arith.constant 80 : i32
      %mul3A_131 = arith.muli %add3A_124, %mul3A_130 : i32
      %dma_start3A_132 = tpu.memref_slice %arg8[%mul3A_131] : memref<10000xi32, #tpu.memory_space<vmem>> -> memref<80xi32, #tpu.memory_space<vmem>>
      %dma_start3A_133 = arith.constant 0 : i32
      %dma_start3A_134 = arith.constant 0 : i32
      %dma_start3A_135 = tpu.memref_slice %arg6[%dma_start3A_133, %dma_start3A_134] : memref<10000x128xf32, #tpu.memory_space<vmem_shared>> -> memref<10000x128xf32, #tpu.memory_space<vmem_shared>>
      tpu.enqueue_indirect_dma source(%arg11 : memref<80x128xf32, #tpu.memory_space<vmem>>) target(%dma_start3A_135 : memref<10000x128xf32, #tpu.memory_space<vmem_shared>>) offsets(%dma_start3A_132 : memref<80xi32, #tpu.memory_space<vmem>>) semaphore(%arg17 : memref<!tpu.dma_semaphore, #tpu.memory_space<semaphore_mem>>) {add = true}
      %add3A_136 = arith.constant 3 : i32
      %add3A_137 = arith.addi %add3A_124, %add3A_136 : i32
      %sub3A_138 = arith.constant 1 : i32
      %sub3A_139 = arith.subi %add3A_137, %sub3A_138 : i32
      %lt3A_140 = arith.constant 125 : i32
      %lt3A_141 = arith.cmpi slt, %sub3A_139, %lt3A_140 : i32
      %convert_element_type3A_142 = arith.extui %lt3A_141 : i1 to i32
      %cond3A_143 = arith.constant 0 : i32
      %cond3A_144 = arith.cmpi ne, %convert_element_type3A_142, %cond3A_143 : i32
      scf.if %cond3A_144 {
        %ge3A = arith.constant 1 : i32
        %ge3A_145 = arith.cmpi sge, %add3A_124, %ge3A : i32
        %convert_element_type3A_146 = arith.extui %ge3A_145 : i1 to i32
        %cond3A_147 = arith.constant 0 : i32
        %cond3A_148 = arith.cmpi ne, %convert_element_type3A_146, %cond3A_147 : i32
        scf.if %cond3A_148 {
          %dma_wait3A_159 = arith.constant 0 : i32
          %dma_wait3A_160 = tpu.memref_slice %arg8[%dma_wait3A_159] : memref<10000xi32, #tpu.memory_space<vmem>> -> memref<80xi32, #tpu.memory_space<vmem>>
          %dma_wait3A_161 = arith.constant 0 : i32
          %dma_wait3A_162 = arith.constant 0 : i32
          %dma_wait3A_163 = tpu.memref_slice %arg6[%dma_wait3A_161, %dma_wait3A_162] : memref<10000x128xf32, #tpu.memory_space<vmem_shared>> -> memref<10000x128xf32, #tpu.memory_space<vmem_shared>>
          tpu.wait_indirect_dma semaphore(%arg16 : memref<!tpu.dma_semaphore, #tpu.memory_space<semaphore_mem>>) src(%arg10 : memref<80x128xf32, #tpu.memory_space<vmem>>) dst(%dma_wait3A_163 : memref<10000x128xf32, #tpu.memory_space<vmem_shared>>)
        } else {
        }
        %add3A_149 = arith.constant 3 : i32
        %add3A_150 = arith.addi %add3A_124, %add3A_149 : i32
        %sub3A_151 = arith.constant 1 : i32
        %sub3A_152 = arith.subi %add3A_150, %sub3A_151 : i32
        %mul3A_153 = arith.constant 80 : i32
        %mul3A_154 = arith.muli %sub3A_152, %mul3A_153 : i32
        %dma_start3A_155 = tpu.memref_slice %arg7[%mul3A_154] : memref<10000xi32, #tpu.memory_space<vmem>> -> memref<80xi32, #tpu.memory_space<vmem>>
        %dma_start3A_156 = arith.constant 0 : i32
        %dma_start3A_157 = arith.constant 0 : i32
        %dma_start3A_158 = tpu.memref_slice %arg2[%dma_start3A_156, %dma_start3A_157] : memref<10000x128xf32, #tpu.memory_space<hbm>> -> memref<10000x128xf32, #tpu.memory_space<hbm>>
        tpu.enqueue_indirect_dma source(%dma_start3A_158 : memref<10000x128xf32, #tpu.memory_space<hbm>>) target(%arg10 : memref<80x128xf32, #tpu.memory_space<vmem>>) offsets(%dma_start3A_155 : memref<80xi32, #tpu.memory_space<vmem>>) semaphore(%arg13 : memref<!tpu.dma_semaphore, #tpu.memory_space<semaphore_mem>>)
      } else {
      }
    }
    %scan3A_31 = arith.constant 41 : i32
    %dma_wait3A_32 = arith.constant 0 : i32
    %dma_wait3A_33 = tpu.memref_slice %arg7[%dma_wait3A_32] : memref<10000xi32, #tpu.memory_space<vmem>> -> memref<80xi32, #tpu.memory_space<vmem>>
    %dma_wait3A_34 = arith.constant 0 : i32
    %dma_wait3A_35 = arith.constant 0 : i32
    %dma_wait3A_36 = tpu.memref_slice %arg2[%dma_wait3A_34, %dma_wait3A_35] : memref<10000x128xf32, #tpu.memory_space<hbm>> -> memref<10000x128xf32, #tpu.memory_space<hbm>>
    tpu.wait_indirect_dma semaphore(%arg12 : memref<!tpu.dma_semaphore, #tpu.memory_space<semaphore_mem>>) src(%dma_wait3A_36 : memref<10000x128xf32, #tpu.memory_space<hbm>>) dst(%arg9 : memref<80x128xf32, #tpu.memory_space<vmem>>)
    %dma_start3A_37 = arith.constant 9840 : i32
    %dma_start3A_38 = tpu.memref_slice %arg8[%dma_start3A_37] : memref<10000xi32, #tpu.memory_space<vmem>> -> memref<80xi32, #tpu.memory_space<vmem>>
    %dma_start3A_39 = arith.constant 0 : i32
    %dma_start3A_40 = arith.constant 0 : i32
    %dma_start3A_41 = tpu.memref_slice %arg6[%dma_start3A_39, %dma_start3A_40] : memref<10000x128xf32, #tpu.memory_space<vmem_shared>> -> memref<10000x128xf32, #tpu.memory_space<vmem_shared>>
    tpu.enqueue_indirect_dma source(%arg9 : memref<80x128xf32, #tpu.memory_space<vmem>>) target(%dma_start3A_41 : memref<10000x128xf32, #tpu.memory_space<vmem_shared>>) offsets(%dma_start3A_38 : memref<80xi32, #tpu.memory_space<vmem>>) semaphore(%arg15 : memref<!tpu.dma_semaphore, #tpu.memory_space<semaphore_mem>>) {add = true}
    %dma_wait3A_42 = arith.constant 0 : i32
    %dma_wait3A_43 = tpu.memref_slice %arg7[%dma_wait3A_42] : memref<10000xi32, #tpu.memory_space<vmem>> -> memref<80xi32, #tpu.memory_space<vmem>>
    %dma_wait3A_44 = arith.constant 0 : i32
    %dma_wait3A_45 = arith.constant 0 : i32
    %dma_wait3A_46 = tpu.memref_slice %arg2[%dma_wait3A_44, %dma_wait3A_45] : memref<10000x128xf32, #tpu.memory_space<hbm>> -> memref<10000x128xf32, #tpu.memory_space<hbm>>
    tpu.wait_indirect_dma semaphore(%arg13 : memref<!tpu.dma_semaphore, #tpu.memory_space<semaphore_mem>>) src(%dma_wait3A_46 : memref<10000x128xf32, #tpu.memory_space<hbm>>) dst(%arg10 : memref<80x128xf32, #tpu.memory_space<vmem>>)
    %dma_start3A_47 = arith.constant 9920 : i32
    %dma_start3A_48 = tpu.memref_slice %arg8[%dma_start3A_47] : memref<10000xi32, #tpu.memory_space<vmem>> -> memref<80xi32, #tpu.memory_space<vmem>>
    %dma_start3A_49 = arith.constant 0 : i32
    %dma_start3A_50 = arith.constant 0 : i32
    %dma_start3A_51 = tpu.memref_slice %arg6[%dma_start3A_49, %dma_start3A_50] : memref<10000x128xf32, #tpu.memory_space<vmem_shared>> -> memref<10000x128xf32, #tpu.memory_space<vmem_shared>>
    tpu.enqueue_indirect_dma source(%arg10 : memref<80x128xf32, #tpu.memory_space<vmem>>) target(%dma_start3A_51 : memref<10000x128xf32, #tpu.memory_space<vmem_shared>>) offsets(%dma_start3A_48 : memref<80xi32, #tpu.memory_space<vmem>>) semaphore(%arg16 : memref<!tpu.dma_semaphore, #tpu.memory_space<semaphore_mem>>) {add = true}
    %dma_wait3A_52 = arith.constant 0 : i32
    %dma_wait3A_53 = tpu.memref_slice %arg8[%dma_wait3A_52] : memref<10000xi32, #tpu.memory_space<vmem>> -> memref<80xi32, #tpu.memory_space<vmem>>
    %dma_wait3A_54 = arith.constant 0 : i32
    %dma_wait3A_55 = arith.constant 0 : i32
    %dma_wait3A_56 = tpu.memref_slice %arg6[%dma_wait3A_54, %dma_wait3A_55] : memref<10000x128xf32, #tpu.memory_space<vmem_shared>> -> memref<10000x128xf32, #tpu.memory_space<vmem_shared>>
    tpu.wait_indirect_dma semaphore(%arg15 : memref<!tpu.dma_semaphore, #tpu.memory_space<semaphore_mem>>) src(%arg9 : memref<80x128xf32, #tpu.memory_space<vmem>>) dst(%dma_wait3A_56 : memref<10000x128xf32, #tpu.memory_space<vmem_shared>>)
    %dma_wait3A_57 = arith.constant 0 : i32
    %dma_wait3A_58 = tpu.memref_slice %arg8[%dma_wait3A_57] : memref<10000xi32, #tpu.memory_space<vmem>> -> memref<80xi32, #tpu.memory_space<vmem>>
    %dma_wait3A_59 = arith.constant 0 : i32
    %dma_wait3A_60 = arith.constant 0 : i32
    %dma_wait3A_61 = tpu.memref_slice %arg6[%dma_wait3A_59, %dma_wait3A_60] : memref<10000x128xf32, #tpu.memory_space<vmem_shared>> -> memref<10000x128xf32, #tpu.memory_space<vmem_shared>>
    tpu.wait_indirect_dma semaphore(%arg16 : memref<!tpu.dma_semaphore, #tpu.memory_space<semaphore_mem>>) src(%arg10 : memref<80x128xf32, #tpu.memory_space<vmem>>) dst(%dma_wait3A_61 : memref<10000x128xf32, #tpu.memory_space<vmem_shared>>)
    %dma_wait3A_62 = arith.constant 0 : i32
    %dma_wait3A_63 = tpu.memref_slice %arg8[%dma_wait3A_62] : memref<10000xi32, #tpu.memory_space<vmem>> -> memref<80xi32, #tpu.memory_space<vmem>>
    %dma_wait3A_64 = arith.constant 0 : i32
    %dma_wait3A_65 = arith.constant 0 : i32
    %dma_wait3A_66 = tpu.memref_slice %arg6[%dma_wait3A_64, %dma_wait3A_65] : memref<10000x128xf32, #tpu.memory_space<vmem_shared>> -> memref<10000x128xf32, #tpu.memory_space<vmem_shared>>
    tpu.wait_indirect_dma semaphore(%arg17 : memref<!tpu.dma_semaphore, #tpu.memory_space<semaphore_mem>>) src(%arg11 : memref<80x128xf32, #tpu.memory_space<vmem>>) dst(%dma_wait3A_66 : memref<10000x128xf32, #tpu.memory_space<vmem_shared>>)
    %barrier3A_67 = arith.constant 0 : index
    tpu.barrier barrier_id(%barrier3A_67)
    %lt3A_68 = arith.constant 10 : i32
    %lt3A_69 = arith.cmpi slt, %arg1, %lt3A_68 : i32
    %convert_element_type3A_70 = arith.extui %lt3A_69 : i1 to i32
    %cond3A_71 = arith.constant 0 : i32
    %cond3A_72 = arith.cmpi ne, %convert_element_type3A_70, %cond3A_71 : i32
    scf.if %cond3A_72 {
      %mul3A_73 = arith.constant 10000 : i32
      %mul3A_74 = arith.muli %arg0, %mul3A_73 : i32
      %add3A_75 = arith.addi %mul3A_74, %mul3A_0 : i32
      "tpu.region"() ({
        %run_scoped3A = tpu.sem_alloc : memref<!tpu.dma_semaphore, #tpu.memory_space<semaphore_mem>>
        %dma_start3A_76 = arith.constant 0 : i32
        %dma_start3A_77 = tpu.memref_slice %arg5[%add3A_75, %dma_start3A_76] : memref<20000x128xf32, #tpu.memory_space<hbm>> -> memref<1000x128xf32, #tpu.memory_space<hbm>>
        %dma_start3A_78 = arith.constant 0 : i32
        %dma_start3A_79 = tpu.memref_slice %arg6[%mul3A_0, %dma_start3A_78] : memref<10000x128xf32, #tpu.memory_space<vmem_shared>> -> memref<1000x128xf32, #tpu.memory_space<vmem_shared>>
        tpu.enqueue_dma source(%dma_start3A_79 : memref<1000x128xf32, #tpu.memory_space<vmem_shared>>) target(%dma_start3A_77 : memref<1000x128xf32, #tpu.memory_space<hbm>>) target_semaphore(%run_scoped3A : memref<!tpu.dma_semaphore, #tpu.memory_space<semaphore_mem>>)
        %dma_wait3A_80 = arith.constant 0 : i32
        %dma_wait3A_81 = tpu.memref_slice %arg5[%add3A_75, %dma_wait3A_80] : memref<20000x128xf32, #tpu.memory_space<hbm>> -> memref<1000x128xf32, #tpu.memory_space<hbm>>
        %dma_wait3A_82 = arith.constant 0 : i32
        %dma_wait3A_83 = tpu.memref_slice %arg6[%mul3A_0, %dma_wait3A_82] : memref<10000x128xf32, #tpu.memory_space<vmem_shared>> -> memref<1000x128xf32, #tpu.memory_space<vmem_shared>>
        tpu.wait_dma2 semaphore(%run_scoped3A : memref<!tpu.dma_semaphore, #tpu.memory_space<semaphore_mem>>) src(%dma_wait3A_83 : memref<1000x128xf32, #tpu.memory_space<vmem_shared>>) dst(%dma_wait3A_81 : memref<1000x128xf32, #tpu.memory_space<hbm>>)
        tpu.yield
      }) : () -> ()
    } else {
    }
    return
  }
}

module attributes {stable_mosaic.version = 14 : i64} {
  func.func @_prep_body(%arg0: i32, %arg1: memref<5000x16xf32, #tpu.memory_space<vmem>>, %arg2: memref<5000x16xf32, #tpu.memory_space<vmem>>, %arg3: memref<5000x128xf32, #tpu.memory_space<vmem>>, %arg4: memref<5000x128xf32, #tpu.memory_space<vmem>>, %arg5: memref<5000x128xf32, #tpu.memory_space<vmem>>) attributes {dimension_semantics = [#tpu.dimension_semantics<arbitrary>], iteration_bounds = array<i64: 2>, scalar_prefetch = 0 : i64, scratch_operands = 0 : i64, tpu.core_type = #tpu.core_type<tc>, window_params = [{transform_indices = @transform_0, window_bounds = array<i64: 5000, 16>}, {transform_indices = @transform_1, window_bounds = array<i64: 5000, 16>}, {transform_indices = @transform_2, window_bounds = array<i64: 5000, 128>}, {transform_indices = @transform_3, window_bounds = array<i64: 5000, 128>}, {transform_indices = @transform_4, window_bounds = array<i64: 5000, 128>}]} {
    %get3A = arith.constant 0 : index
    %get3A_0 = arith.constant 0 : index
    %get3A_1 = vector.load %arg1[%get3A, %get3A_0] : memref<5000x16xf32, #tpu.memory_space<vmem>>, vector<5000x1xf32>
    %get3A_2 = arith.constant 0 : index
    %get3A_3 = arith.constant 0 : index
    %get3A_4 = vector.load %arg2[%get3A_2, %get3A_3] : memref<5000x16xf32, #tpu.memory_space<vmem>>, vector<5000x1xf32>
    %add3A = arith.addf %get3A_1, %get3A_4 : vector<5000x1xf32>
    %gt3A = arith.constant 0.000000e+00 : f32
    %gt3A_5 = vector.broadcast %gt3A : f32 to vector<5000x1xf32>
    %gt3A_6 = arith.cmpf ogt, %add3A, %gt3A_5 : vector<5000x1xf32>
    %rsqrt3A = math.rsqrt %add3A : vector<5000x1xf32>
    %jit3A = arith.constant 0.000000e+00 : f32
    %broadcast_in_dim3A = vector.broadcast %jit3A : f32 to vector<5000x1xf32>
    %select_n3A = arith.select %gt3A_6, %rsqrt3A, %broadcast_in_dim3A : vector<5000x1xi1>, vector<5000x1xf32>
    %broadcast_in_dim3A_7 = vector.shape_cast %select_n3A : vector<5000x1xf32> to vector<5000x1xf32>
    %broadcast_in_dim3A_8 = vector.broadcast %broadcast_in_dim3A_7 : vector<5000x1xf32> to vector<5000x128xf32>
    %swap3A = arith.constant 0 : index
    %swap3A_9 = arith.constant 0 : index
    %swap3A_10 = vector.load %arg5[%swap3A, %swap3A_9] : memref<5000x128xf32, #tpu.memory_space<vmem>>, vector<5000x128xf32>
    tpu.vector_store %arg5[%swap3A, %swap3A_9], %broadcast_in_dim3A_8 {strides = array<i32>} : memref<5000x128xf32, #tpu.memory_space<vmem>>, vector<5000x128xf32>,
    %get3A_11 = arith.constant 0 : index
    %get3A_12 = arith.constant 0 : index
    %get3A_13 = vector.load %arg3[%get3A_11, %get3A_12] : memref<5000x128xf32, #tpu.memory_space<vmem>>, vector<5000x128xf32>
    %mul3A = arith.mulf %get3A_13, %broadcast_in_dim3A_8 : vector<5000x128xf32>
    %swap3A_14 = arith.constant 0 : index
    %swap3A_15 = arith.constant 0 : index
    %swap3A_16 = vector.load %arg4[%swap3A_14, %swap3A_15] : memref<5000x128xf32, #tpu.memory_space<vmem>>, vector<5000x128xf32>
    tpu.vector_store %arg4[%swap3A_14, %swap3A_15], %mul3A {strides = array<i32>} : memref<5000x128xf32, #tpu.memory_space<vmem>>, vector<5000x128xf32>,
    return
  }
  func.func @transform_0(%arg0: i32) -> (i32, i32) {
    %c0_i32 = arith.constant 0 : i32
    %c0_i32_0 = arith.constant 0 : i32
    return %arg0, %c0_i32 : i32, i32
  }
  func.func @transform_1(%arg0: i32) -> (i32, i32) {
    %add3A = arith.constant 2 : i32
    %add3A_0 = arith.addi %add3A, %arg0 : i32
    %c0_i32 = arith.constant 0 : i32
    %c0_i32_1 = arith.constant 0 : i32
    return %add3A_0, %c0_i32 : i32, i32
  }
  func.func @transform_2(%arg0: i32) -> (i32, i32) {
    %c0_i32 = arith.constant 0 : i32
    %c0_i32_0 = arith.constant 0 : i32
    return %arg0, %c0_i32 : i32, i32
  }
  func.func @transform_3(%arg0: i32) -> (i32, i32) {
    %c0_i32 = arith.constant 0 : i32
    %c0_i32_0 = arith.constant 0 : i32
    return %arg0, %c0_i32 : i32, i32
  }
  func.func @transform_4(%arg0: i32) -> (i32, i32) {
    %c0_i32 = arith.constant 0 : i32
    %c0_i32_0 = arith.constant 0 : i32
    return %arg0, %c0_i32 : i32, i32
  }
}

module attributes {stable_mosaic.version = 14 : i64} {
  func.func @_mid_body(%arg0: i32, %arg1: memref<5000x128xf32, #tpu.memory_space<vmem>>, %arg2: memref<5000x128xf32, #tpu.memory_space<vmem>>, %arg3: memref<5000x128xf32, #tpu.memory_space<vmem>>, %arg4: memref<128x256xf32, #tpu.memory_space<vmem>>, %arg5: memref<1x256xf32, #tpu.memory_space<vmem>>, %arg6: memref<256x128xf32, #tpu.memory_space<vmem>>, %arg7: memref<5000x128xf32, #tpu.memory_space<vmem>>) attributes {dimension_semantics = [#tpu.dimension_semantics<arbitrary>], iteration_bounds = array<i64: 2>, scalar_prefetch = 0 : i64, scratch_operands = 0 : i64, tpu.core_type = #tpu.core_type<tc>, window_params = [{transform_indices = @transform_0, window_bounds = array<i64: 5000, 128>}, {transform_indices = @transform_1, window_bounds = array<i64: 5000, 128>}, {transform_indices = @transform_2, window_bounds = array<i64: 5000, 128>}, {pipeline_mode = #tpu.pipeline_mode<synchronous>, transform_indices = @transform_3, window_bounds = array<i64: 128, 256>}, {pipeline_mode = #tpu.pipeline_mode<synchronous>, transform_indices = @transform_4, window_bounds = array<i64: 1, 256>}, {pipeline_mode = #tpu.pipeline_mode<synchronous>, transform_indices = @transform_5, window_bounds = array<i64: 256, 128>}, {transform_indices = @transform_6, window_bounds = array<i64: 5000, 128>}]} {
    %get3A = arith.constant 0 : index
    %get3A_0 = arith.constant 0 : index
    %get3A_1 = vector.load %arg3[%get3A, %get3A_0] : memref<5000x128xf32, #tpu.memory_space<vmem>>, vector<5000x128xf32>
    %get3A_2 = arith.constant 0 : index
    %get3A_3 = arith.constant 0 : index
    %get3A_4 = vector.load %arg1[%get3A_2, %get3A_3] : memref<5000x128xf32, #tpu.memory_space<vmem>>, vector<5000x128xf32>
    %get3A_5 = arith.constant 0 : index
    %get3A_6 = arith.constant 0 : index
    %get3A_7 = vector.load %arg2[%get3A_5, %get3A_6] : memref<5000x128xf32, #tpu.memory_space<vmem>>, vector<5000x128xf32>
    %add3A = arith.addf %get3A_4, %get3A_7 : vector<5000x128xf32>
    %mul3A = arith.mulf %add3A, %get3A_1 : vector<5000x128xf32>
    %get3A_8 = arith.constant 0 : index
    %get3A_9 = arith.constant 0 : index
    %get3A_10 = vector.load %arg4[%get3A_8, %get3A_9] : memref<128x256xf32, #tpu.memory_space<vmem>>, vector<128x256xf32>
    %dot_general3A = arith.constant dense<0.000000e+00> : vector<5000x256xf32>
    %dot_general3A_11 = tpu.matmul %mul3A, %get3A_10, %dot_general3A {dimension_numbers = #tpu.dot_dimension_numbers<[1], [0], [0], [1], [0, 0, 1, 1], [], []>, transpose_lhs_hint = false} : vector<5000x128xf32>, vector<128x256xf32>, vector<5000x256xf32> -> vector<5000x256xf32>
    %get3A_12 = arith.constant 0 : index
    %get3A_13 = arith.constant 0 : index
    %get3A_14 = vector.load %arg5[%get3A_12, %get3A_13] : memref<1x256xf32, #tpu.memory_space<vmem>>, vector<1x256xf32>
    %add3A_15 = vector.broadcast %get3A_14 : vector<1x256xf32> to vector<5000x256xf32>
    %add3A_16 = arith.addf %dot_general3A_11, %add3A_15 : vector<5000x256xf32>
    %max3A = arith.constant 0.000000e+00 : f32
    %max3A_17 = vector.broadcast %max3A : f32 to vector<5000x256xf32>
    %max3A_18 = arith.maximumf %add3A_16, %max3A_17 : vector<5000x256xf32>
    %get3A_19 = arith.constant 0 : index
    %get3A_20 = arith.constant 0 : index
    %get3A_21 = vector.load %arg6[%get3A_19, %get3A_20] : memref<256x128xf32, #tpu.memory_space<vmem>>, vector<256x128xf32>
    %dot_general3A_22 = arith.constant dense<0.000000e+00> : vector<5000x128xf32>
    %dot_general3A_23 = tpu.matmul %max3A_18, %get3A_21, %dot_general3A_22 {dimension_numbers = #tpu.dot_dimension_numbers<[1], [0], [0], [1], [0, 0, 1, 1], [], []>, transpose_lhs_hint = false} : vector<5000x256xf32>, vector<256x128xf32>, vector<5000x128xf32> -> vector<5000x128xf32>
    %mul3A_24 = arith.mulf %dot_general3A_23, %get3A_1 : vector<5000x128xf32>
    %swap3A = arith.constant 0 : index
    %swap3A_25 = arith.constant 0 : index
    %swap3A_26 = vector.load %arg7[%swap3A, %swap3A_25] : memref<5000x128xf32, #tpu.memory_space<vmem>>, vector<5000x128xf32>
    tpu.vector_store %arg7[%swap3A, %swap3A_25], %mul3A_24 {strides = array<i32>} : memref<5000x128xf32, #tpu.memory_space<vmem>>, vector<5000x128xf32>,
    return
  }
  func.func @transform_0(%arg0: i32) -> (i32, i32) {
    %c0_i32 = arith.constant 0 : i32
    %c0_i32_0 = arith.constant 0 : i32
    return %arg0, %c0_i32 : i32, i32
  }
  func.func @transform_1(%arg0: i32) -> (i32, i32) {
    %add3A = arith.constant 2 : i32
    %add3A_0 = arith.addi %add3A, %arg0 : i32
    %c0_i32 = arith.constant 0 : i32
    %c0_i32_1 = arith.constant 0 : i32
    return %add3A_0, %c0_i32 : i32, i32
  }
  func.func @transform_2(%arg0: i32) -> (i32, i32) {
    %c0_i32 = arith.constant 0 : i32
    %c0_i32_0 = arith.constant 0 : i32
    return %arg0, %c0_i32 : i32, i32
  }
  func.func @transform_3(%arg0: i32) -> (i32, i32) {
    %c0_i32 = arith.constant 0 : i32
    %c0_i32_0 = arith.constant 0 : i32
    %c0_i32_1 = arith.constant 0 : i32
    return %c0_i32, %c0_i32_0 : i32, i32
  }
  func.func @transform_4(%arg0: i32) -> (i32, i32) {
    %c0_i32 = arith.constant 0 : i32
    %c0_i32_0 = arith.constant 0 : i32
    %c0_i32_1 = arith.constant 0 : i32
    return %c0_i32, %c0_i32_0 : i32, i32
  }
  func.func @transform_5(%arg0: i32) -> (i32, i32) {
    %c0_i32 = arith.constant 0 : i32
    %c0_i32_0 = arith.constant 0 : i32
    %c0_i32_1 = arith.constant 0 : i32
    return %c0_i32, %c0_i32_0 : i32, i32
  }
  func.func @transform_6(%arg0: i32) -> (i32, i32) {
    %c0_i32 = arith.constant 0 : i32
    %c0_i32_0 = arith.constant 0 : i32
    return %arg0, %c0_i32 : i32, i32
  }
}

module attributes {stable_mosaic.version = 14 : i64} {
  func.func @_fin_body(%arg0: i32, %arg1: memref<5000x128xf32, #tpu.memory_space<vmem>>, %arg2: memref<5000x128xf32, #tpu.memory_space<vmem>>, %arg3: memref<5000x128xf32, #tpu.memory_space<vmem>>, %arg4: memref<1x128xf32, #tpu.memory_space<vmem>>, %arg5: memref<5000x128xf32, #tpu.memory_space<vmem>>) attributes {dimension_semantics = [#tpu.dimension_semantics<arbitrary>], iteration_bounds = array<i64: 2>, scalar_prefetch = 0 : i64, scratch_operands = 0 : i64, tpu.core_type = #tpu.core_type<tc>, window_params = [{transform_indices = @transform_0, window_bounds = array<i64: 5000, 128>}, {transform_indices = @transform_1, window_bounds = array<i64: 5000, 128>}, {transform_indices = @transform_2, window_bounds = array<i64: 5000, 128>}, {pipeline_mode = #tpu.pipeline_mode<synchronous>, transform_indices = @transform_3, window_bounds = array<i64: 1, 128>}, {transform_indices = @transform_4, window_bounds = array<i64: 5000, 128>}]} {
    %get3A = arith.constant 0 : index
    %get3A_0 = arith.constant 0 : index
    %get3A_1 = vector.load %arg1[%get3A, %get3A_0] : memref<5000x128xf32, #tpu.memory_space<vmem>>, vector<5000x128xf32>
    %get3A_2 = arith.constant 0 : index
    %get3A_3 = arith.constant 0 : index
    %get3A_4 = vector.load %arg2[%get3A_2, %get3A_3] : memref<5000x128xf32, #tpu.memory_space<vmem>>, vector<5000x128xf32>
    %add3A = arith.addf %get3A_1, %get3A_4 : vector<5000x128xf32>
    %get3A_5 = arith.constant 0 : index
    %get3A_6 = arith.constant 0 : index
    %get3A_7 = vector.load %arg3[%get3A_5, %get3A_6] : memref<5000x128xf32, #tpu.memory_space<vmem>>, vector<5000x128xf32>
    %mul3A = arith.mulf %add3A, %get3A_7 : vector<5000x128xf32>
    %get3A_8 = arith.constant 0 : index
    %get3A_9 = arith.constant 0 : index
    %get3A_10 = vector.load %arg4[%get3A_8, %get3A_9] : memref<1x128xf32, #tpu.memory_space<vmem>>, vector<1x128xf32>
    %add3A_11 = vector.broadcast %get3A_10 : vector<1x128xf32> to vector<5000x128xf32>
    %add3A_12 = arith.addf %mul3A, %add3A_11 : vector<5000x128xf32>
    %swap3A = arith.constant 0 : index
    %swap3A_13 = arith.constant 0 : index
    %swap3A_14 = vector.load %arg5[%swap3A, %swap3A_13] : memref<5000x128xf32, #tpu.memory_space<vmem>>, vector<5000x128xf32>
    tpu.vector_store %arg5[%swap3A, %swap3A_13], %add3A_12 {strides = array<i32>} : memref<5000x128xf32, #tpu.memory_space<vmem>>, vector<5000x128xf32>,
    return
  }
  func.func @transform_0(%arg0: i32) -> (i32, i32) {
    %c0_i32 = arith.constant 0 : i32
    %c0_i32_0 = arith.constant 0 : i32
    return %arg0, %c0_i32 : i32, i32
  }
  func.func @transform_1(%arg0: i32) -> (i32, i32) {
    %add3A = arith.constant 2 : i32
    %add3A_0 = arith.addi %add3A, %arg0 : i32
    %c0_i32 = arith.constant 0 : i32
    %c0_i32_1 = arith.constant 0 : i32
    return %add3A_0, %c0_i32 : i32, i32
  }
  func.func @transform_2(%arg0: i32) -> (i32, i32) {
    %c0_i32 = arith.constant 0 : i32
    %c0_i32_0 = arith.constant 0 : i32
    return %arg0, %c0_i32 : i32, i32
  }
  func.func @transform_3(%arg0: i32) -> (i32, i32) {
    %c0_i32 = arith.constant 0 : i32
    %c0_i32_0 = arith.constant 0 : i32
    %c0_i32_1 = arith.constant 0 : i32
    return %c0_i32, %c0_i32_0 : i32, i32
  }
  func.func @transform_4(%arg0: i32) -> (i32, i32) {
    %c0_i32 = arith.constant 0 : i32
    %c0_i32_0 = arith.constant 0 : i32
    return %arg0, %c0_i32 : i32, i32
  }
}

</mosaic_0001>

<sc_bundles>
// kernel: kernel.11.cloned.1.call-start
scs
__scs_entry_jumppad:
0x0: {  	(pc) =	sbr.rel $0x88, $3  }
0x1: {  	(tag) =	ssettag $0x0;
	lr =	simm.s32 $0x1  }
0x2: {  	[smem:$0x3F9B] =	sst lr;
	_ =	strace $0xD0000000  }
0x3: {  	_ = 	snop  }
0x4: {  	_ = 	snop  }
0x5: {  	_ = 	snop  }
0x6: {  	_ = 	snop  }
0x7: {  	_ = 	snop  }
__scs_overlays_trampoline_lowered:
0x8: {  	[smem:$0x3FAA] =	sst s0  }
0x9: {  	[smem:$0x3FAB] =	sst s1  }
0xa: {  	[smem:$0x3FAC] =	sst s2  }
0xb: {  	[smem:$0x3FAD] =	sst s3  }
0xc: {  	[smem:$0x3FAE] =	sst s4  }
0xd: {  	[smem:$0x3FAF] =	sst s5  }
0xe: {  	[smem:$0x3FB0] =	sst s6  }
0xf: {  	[smem:$0x3FB1] =	sst s7  }
0x10: {  	[smem:$0x3FB2] =	sst s8  }
0x11: {  	[smem:$0x3FB3] =	sst s9;
	s0 =	simm.s32 @!p0 $0x0  }
0x12: {  	s1 =	sld [smem:$0x3F99];
	s0 =	simm.s32 @p0 $0x1  }
0x13: {  	[smem:$0x3FB4] =	sst s0;
	s0 =	simm.s32 @!p1 $0x0  }
0x14: {  	s2 =	sld [smem:$0x3F98];
	s0 =	simm.s32 @p1 $0x1  }
0x15: {  	[smem:$0x3FB5] =	sst s0;
	s0 =	simm.s32 @!p2 $0x0  }
0x16: {  	s3 =	sld [smem:$0x3FDB];
	s0 =	simm.s32 @p2 $0x1  }
0x17: {  	s4 =	simm.s32 $0x1BF5;
	[smem:$0x3FB7] =	sst s0  }
0x18: {  	s0 =	sld [smem:$0x3F9A];
	_ =	swait.ge [sflag:s4], $0x0  }
0x19: {  	s7 =	sld [smem:$0x3F9B]  }
0x1a: {  	s8 =	sadd.s32 $0xFFFFE003, lr  }
0x1b: {  	s9 =	sadd.s32 $0xFFFFFEF7, lr;
	s5 =	simm.s32 $0xFFFFFFFF;
	p2 =	slt.u32 s8, $0xFFFFF086  }
0x1c: {  	p1 =	slt.u32 s9, $0xF7A;
	s5 =	simm.s32 @!p2 $0x0  }
0x1d: {  	s5 =	simm.s32 @p1 $0x1;
	p0 =	seq.s32 s7, s2  }
0x1e: {  	s7 =	smul.u32 @!p0 $0xF7A, s2;
	p2 =	seq.s32 @!p0 s5, $0x0  }
0x1f: {  	s9 =	smul.u32 $0xF7A, s1;
	s8 =	simm.s32 @!p0 $0x1BF5;
	p2 =	por !p2, p0  }
0x20: {  	[sflag:s8] =	ssyncset.s32 @!p0 $0xFFFFF086;
	s6 =	sadd.s32 @!p0 s3, s7;
	s7 =	simm.s32 @!p0 $0x108  }
0x21: {  	s3 =	sadd.s32 s3, s9;
	s6 =	sadd.s32 @!p0 $0x88, s6;
	s7 =	simm.s32 @p2 $0x1082  }
0x22: {  	[simem:s7], [sflag:s8] =	dma.local @!p0 [hbm:s6], $0xF7A  }
0x23: {  	s9 =	sor.u32 $0xD0000000, s2;
	s6 =	simm.s32 $0x108;
	_ =	swait.ge @!p0 [sflag:s8], $0x0  }
0x24: {  	s3 =	sadd.s32 $0x88, s3;
	s6 =	simm.s32 @!p1 $0x1082;
	[sflag:s4] =	ssyncset.s32 $0xFFFFF086  }
0x25: {  	[simem:s6], [sflag:s4] =	dma.local [hbm:s3], $0xF7A  }
0x26: {  	[smem:$0x3F9B] =	sst s1;
	(tag) =	ssettag s2;
	_ =	strace s9  }
0x27: {  	s1 =	sld [smem:$0x3FAB]  }
0x28: {  	s2 =	sld [smem:$0x3FAC]  }
0x29: {  	s4 =	sld [smem:$0x3FAE]  }
0x2a: {  	p0 =	seq.s32 s5, $0x0;
	s5 =	sld [smem:$0x3FAF]  }
0x2b: {  	s6 =	sld [smem:$0x3FB0]  }
0x2c: {  	s7 =	sld [smem:$0x3FB1]  }
0x2d: {  	s3 =	simm.s32 $0x108;
	s8 =	sld [smem:$0x3FB2]  }
0x2e: {  	s3 =	simm.s32 @!p0 $0x1082;
	s9 =	sld [smem:$0x3FB3]  }
0x2f: {  	lr =	sadd.s32 s0, s3;
	s0 =	sld [smem:$0x3FAA]  }
0x30: {  	s3 =	sld [smem:$0x3FAD]  }
0x31: {  	[smem:$0x3FB6] =	sst s10  }
0x32: {  	s10 =	sld [smem:$0x3FB4];
	_ =	sdelay $0x3  }
0x33: {  	p0 =	seq.s32 s10, $0x1;
	s10 =	sld [smem:$0x3FB6];
	_ =	sdelay $0x3  }
0x34: {  	[smem:$0x3FB6] =	sst s10  }
0x35: {  	s10 =	sld [smem:$0x3FB5];
	_ =	sdelay $0x3  }
0x36: {  	p1 =	seq.s32 s10, $0x1;
	s10 =	sld [smem:$0x3FB6];
	_ =	sdelay $0x3  }
0x37: {  	[smem:$0x3FB6] =	sst s10  }
0x38: {  	s10 =	sld [smem:$0x3FB7]  }
0x39: {  	_ = 	snop;
	(pc) =	sbr.ind lr, $3  }
0x3a: {  	_ = 	snop  }
0x3b: {  	_ = 	snop  }
0x3c: {  	p2 =	seq.s32 s10, $0x1;
	s10 =	sld [smem:$0x3FB6]  }
0x3d: {  	_ =	shalt  }
0x3e: {  	_ =	shalt  }
0x3f: {  	_ =	shalt  }
0x40: {  	_ =	shalt  }
0x41: {  	_ =	shalt  }
0x42: {  	_ =	shalt  }
0x43: {  	_ =	shalt  }
0x44: {  	_ =	shalt  }
0x45: {  	_ =	shalt  }
0x46: {  	_ =	shalt  }
0x47: {  	_ =	shalt  }
0x48: {  	_ =	shalt  }
0x49: {  	_ =	shalt  }
0x4a: {  	_ =	shalt  }
0x4b: {  	_ =	shalt  }
0x4c: {  	_ =	shalt  }
0x4d: {  	_ =	shalt  }
0x4e: {  	_ =	shalt  }
0x4f: {  	_ =	shalt  }
0x50: {  	_ =	shalt  }
0x51: {  	_ =	shalt  }
0x52: {  	_ =	shalt  }
0x53: {  	_ =	shalt  }
0x54: {  	_ =	shalt  }
0x55: {  	_ =	shalt  }
0x56: {  	_ =	shalt  }
0x57: {  	_ =	shalt  }
0x58: {  	_ =	shalt  }
0x59: {  	_ =	shalt  }
0x5a: {  	_ =	shalt  }
0x5b: {  	_ =	shalt  }
0x5c: {  	_ =	shalt  }
0x5d: {  	_ =	shalt  }
0x5e: {  	_ =	shalt  }
0x5f: {  	_ =	shalt  }
0x60: {  	_ =	shalt  }
0x61: {  	_ =	shalt  }
0x62: {  	_ =	shalt  }
0x63: {  	_ =	shalt  }
0x64: {  	_ =	shalt  }
0x65: {  	_ =	shalt  }
0x66: {  	_ =	shalt  }
0x67: {  	_ =	shalt  }
0x68: {  	_ =	shalt  }
0x69: {  	_ =	shalt  }
0x6a: {  	_ =	shalt  }
0x6b: {  	_ =	shalt  }
0x6c: {  	_ =	shalt  }
0x6d: {  	_ =	shalt  }
0x6e: {  	_ =	shalt  }
0x6f: {  	_ =	shalt  }
0x70: {  	_ =	shalt  }
0x71: {  	_ =	shalt  }
0x72: {  	_ =	shalt  }
0x73: {  	_ =	shalt  }
0x74: {  	_ =	shalt  }
0x75: {  	_ =	shalt  }
0x76: {  	_ =	shalt  }
0x77: {  	_ =	shalt  }
0x78: {  	_ =	shalt  }
0x79: {  	_ =	shalt  }
0x7a: {  	_ =	shalt  }
0x7b: {  	_ =	shalt  }
0x7c: {  	_ =	shalt  }
0x7d: {  	_ =	shalt  }
0x7e: {  	_ =	shalt  }
0x7f: {  	_ =	shalt  }
0x80: {  	_ =	shalt  }
0x81: {  	_ =	shalt  }
0x82: {  	_ =	shalt  }
0x83: {  	_ =	shalt  }
0x84: {  	_ =	shalt  }
0x85: {  	_ =	shalt  }
0x86: {  	_ =	shalt  }
0x87: {  	_ =	shalt  }
.Lfunc_end0:
.L_simem_size_0:
called_computation.1_lowered:
.L_overlay_start_0:
0x88: {  	s2 =	sld [smem:$0x3FD9]  }
0x89: {  	s3 =	sld [smem:$0x3FFE];
	_ =	sdelay $0x1  }
0x8a: {  	s1 =	srdreg.scid  }
0x8b: {  	s0 =	sand.u32 $0x1, s1  }
0x8c: {  	s17 =	sshll.u32 s0, $0xA;
	s2 =	sadd.s32 s3, s2  }
0x8d: {  	s2 =	sadd.s32 s2, s17  }
0x8e: {  	[smem:$0x3FC2] =	sst s2  }
0x8f: {  	_ = 	snop  }
0x90: {  	s2 =	sld [smem:$0x3FD0];
	(tm) =	ssettm $0x1  }
0x91: {  	s18 =	sld [smem:$0x3FFB];
	_ =	sdelay $0x3  }
0x92: {  	_ =	strace s18  }
0x93: {  	s3 =	sld [smem:$0x3FFC];
	_ =	sdelay $0x3  }
0x94: {  	_ =	strace s3  }
0x95: {  	s3 =	sld [smem:$0x3FFD];
	_ =	sdelay $0x3  }
0x96: {  	_ =	strace s3  }
0x97: {  	_ =	strace $0x8FFFFFFF  }
0x98: {  	s19 =	sld [smem:$0x3FDB];
	_ =	sdelay $0x1  }
0x99: {  	s4 =	simm.s32 $_scs_section_size  }
0x9a: {  	s5 =	simm.s32 $_size__tile_overlayer_lowered;
	s6 =	simm.s32 $_tile_overlayer_lowered  }
0x9b: {  	s22 =	simm.s32 $0x1BFF;
	s21 =	sshll.u32 s6, $0x1;
	s3 =	sadd.s32 s4, s19  }
0x9c: {  	s7 =	simm.s32 $0x0;
	s20 =	sshll.u32 s5, $0x1;
	s5 =	sadd.s32 s21, s3  }
0x9d: {  	[timem:s7], [sflag:s22] =	dma.local [hbm:s5], s20  }
0x9e: {  	_ =	swait.ge [sflag:s22], s20  }
0x9f: {  	s4 =	ssub.s32 $0x0, s20;
	[sflag:s22] =	ssyncset.done $0x0  }
0xa0: {  	[sflag:s22] =	ssyncadd.s32 s4;
	_ =	sdelay $0x1  }
0xa1: {  	s23 =	simm.s32 $0x1B8B  }
0xa2: {  	_ =	swait.ge [sflag:s23], $0x1  }
0xa3: {  	[sflag:s23] =	ssyncset.done $0x0  }
0xa4: {  	s25 =	simm.s32 $0x1B8E;
	s24 =	sld [smem:$0x3FFE];
	[sflag:s23] =	ssyncadd.s32 $0xFFFFFFFF  }
0xa5: {  	s26 =	simm.s32 $execute0_lowered;
	[smem:$0x3FD2] =	sst s25  }
0xa6: {  	s5 =	sshll.u32 s26, $0x1;
	_ =	strace $0x80000049;
	[dreg:$0x1] =	wrdreg $0xFFFFFFFF  }
0xa7: {  	s28 =	simm.s32 $_size_execute0_lowered;
	s3 =	sadd.s32 s3, s5;
	[dreg:$0x0] =	wrdreg $0x0  }
0xa8: {  	s5 =	sshll.u32 s28, $0x1;
	[dreg:$0x2] =	wrdreg s3  }
0xa9: {  	[dreg:$0x3] =	wrdreg s5  }
0xaa: {  	[dreg:$0x4] =	wrdreg $0xC0  }
0xab: {  	_ =	task [dreg:s7], $0x5FFFF  }
0xac: {  	[dreg:$0x1] =	wrdreg $0xFFFFFFFF  }
0xad: {  	[dreg:$0x0] =	wrdreg $0x60  }
0xae: {  	[dreg:$0x2] =	wrdreg s2  }
0xaf: {  	[dreg:$0x3] =	wrdreg s24  }
0xb0: {  	[dreg:$0x4] =	wrdreg $0x0  }
0xb1: {  	[dreg:$0x5] =	wrdreg $0x9  }
0xb2: {  	_ =	task.clear_ibuf [dreg:s7], $0x6FFFF;
	_ =	strace $0x90000049  }
0xb3: {  	s29 =	simm.s32 $0x9;
	_ =	strace $0x8000004B  }
0xb4: {  	_ =	swait.ge [sflag:s29], $0x1  }
0xb5: {  	[sflag:s29] =	ssyncadd.s32 $0xFFFFFFFF  }
0xb6: {  	_ =	strace $0x9000004B  }
0xb7: {  	_ =	sfence  }
0xb8: {  	s30 =	sld [smem:$0x0];
	_ =	sdelay $0x2  }
0xb9: {  	s31 =	sshll.u32 s1, $0xD;
	s1 =	sshrl.u32 s1, $0x2  }
0xba: {  	s3 =	sand.u32 $0x4000, s31;
	s1 =	sadd.s32 s1, s30  }
0xbb: {  	s0 =	sor.u32 s3, s0;
	s1 =	sshll.u32 s1, $0x11  }
0xbc: {  	s0 =	sor.u32 s1, s0  }
0xbd: {  	s0 =	sadd.s32 $0x8F2B, s0  }
0xbe: {  	[sflag:s0] =	ssyncadd.remote.s32 $0x1  }
0xbf: {  	_ =	sfence.sel $0xFFFF  }
0xc0: {  	[dreg:$0x0] =	wrdreg $0xFFFFFFFF;
	(pc) =	sbr.abs _section_cstart, $3  }
0xc1: {  	[dreg:$0x1] =	wrdreg $0xFFFFFFFF  }
0xc2: {  	_ =	task.clear_ibuf [dreg:s7], $0x2FFFF;
	_ =	strace $0x9FFFFFFF  }
0xc3: {  	(tm) =	ssettm $0x7FFFFFFF  }
tec
execute0_lowered:
.L_overlay_start_1:
0x0: {  	(tag) =	ssettag $0x1  }
0x1: {  	s1 =	rddreg [dreg:$0x0]  }
0x2: {  	s0 =	srdreg.scid;
	s2 =	rddreg [dreg:$0x1]  }
0x3: {  	s12 =	stileid.u32;
	s3 =	rddreg [dreg:$0x2]  }
0x4: {  	s4 =	simm.s32 $0x0;
	s10 =	simm.s32 $0x13880;
	s11 =	simm.s32 $0x15F90  }
0x5: {  	s14 =	simm.s32 $0x1;
	s15 =	simm.s32 $0x2;
	s16 =	simm.s32 $0x50  }
0x6: {  	s17 =	simm.s32 $0x186A0;
	s19 =	simm.s32 $0x1AEA0;
	s21 =	simm.s32 $0x1D6A0  }
0x7: {  	s23 =	simm.s32 $0x4;
	s24 =	simm.s32 $0x13970;
	s25 =	simm.s32 $0x3  }
0x8: {  	s28 =	simm.s32 $0x5;
	s29 =	simm.s32 $0x139C0;
	s5 =	smul.u32 $0x2710, s12  }
0x9: {  	s30 =	simm.s32 $0x6;
	s31 =	simm.s32 $0x18600;
	s7 =	smul.u32 $0x3E80, s12  }
0xa: {  	s0 =	sand.u32 $0x1, s0;
	[smem:$0x7FF] =	sst s4;
	s9 =	smul.u32 $0x7D000, s12  }
0xb: {  	p0 =	sgt.u32 s12, $0x9;
	s6 =	smul.u32 $0x27100, s0;
	s0 =	ssub.s32 $0x2, s0  }
0xc: {  	_ =	strace $0x8000004A;
	s26 =	sshrl.u32 s0, $0x1;
	s9 =	sshrl.u32 s9, $0x2  }
0xd: {  	s5 =	sadd.s32 s5, s6;
	s6 =	sadd.s32 s7, s6;
	s0 =	ssub.s32 s0, s26  }
0xe: {  	s13 =	sadd.s32 s9, s3;
	s26 =	simm.s32 $0x16030;
	s5 =	sshrl.u32 s5, $0x3  }
0xf: {  	s9 =	smax.u32 s0, $0x1;
	s0 =	sshll.u32 @!p0 s12, $0x6;
	s13 =	sshrl.u32 @!p0 s13, $0x3  }
0x10: {  	s8 =	sadd.s32 s5, s2;
	s5 =	sadd.s32 $0x16000, s2;
	s2 =	sadd.s32 s6, s2  }
0x11: {  	s12 =	sor.u32 @!p0 $0x1C07, s0;
	s0 =	simm.s32 $0x0;
	s6 =	sadd.s32 $0x2600, s8  }
0x12: {  	s7 =	sadd.s32 $0xC240, s8;
	s8 =	sadd.s32 $0x1A000, s2;
	s2 =	simm.s32 $0x18650  }
.LBB2_1:
0x13: {  	[tilespmem:s10], [sflag:$0x1] =	stream.linear.gather [hbm4b:s6+s4], $0x2710, $0x38;
	[tilespmem:$0x1FEA0] =	vst v63  }
0x14: {  	s18 =	simm.s32 @!p0 $0x7  }
0x15: {  	[tilespmem:s11], [sflag:$0x2] =	stream.linear.gather [hbm4b:s7+s4], $0x2710, $0x38;
	[tilespmem:$0x1FEA0] =	vst v63  }
0x16: {  	[spmem:s13], [sflag:s12] =	dma.local @!p0 [hbm:s5], $0x3E80  }
0x17: {  	_ =	swait.ge @!p0 [sflag:s18], $0x3E80  }
0x18: {  	[sflag:s18] =	ssyncset.done @!p0 $0x0  }
0x19: {  	[sflag:s18] =	ssyncadd.s32 @!p0 $0xFFFFC180  }
0x1a: {  	_ =	swait.ge [sflag:s14], $0x2710  }
0x1b: {  	[sflag:s14] =	ssyncset.done $0x0  }
0x1c: {  	[sflag:s14] =	ssyncadd.s32 $0xFFFFD8F0  }
0x1d: {  	_ =	swait.ge [sflag:s15], $0x2710  }
0x1e: {  	[sflag:s15] =	ssyncset.done $0x0  }
0x1f: {  	[sflag:s15] =	ssyncadd.s32 $0xFFFFD8F0  }
0x20: {  	[tilespmem:s17], [sflag:$0x1] =	stream.indirect.gather [hbm4b:s1+s16], $0x80, s10, s16, $0xb8;
	[tilespmem:$0x1FEA0] =	vst v63  }
0x21: {  	s20 =	simm.s32 $0x138D0  }
0x22: {  	[tilespmem:s19], [sflag:$0x2] =	stream.indirect.gather [hbm4b:s1+s16], $0x80, s20, s16, $0xb8;
	[tilespmem:$0x1FEA0] =	vst v63  }
0x23: {  	[bflag:$0x0] =	sbarrier.arrive $0xFFFF  }
0x24: {  	_ =	swait.ge [sflag:s14], $0x2800  }
0x25: {  	[sflag:s14] =	ssyncset.done $0x0  }
0x26: {  	[sflag:s14] =	ssyncadd.s32 $0xFFFFD800  }
0x27: {  	[spmem:s3] =	stream.indirect.scatter.add.f32 [tilespmem:s17], [sflag:$0x4], $0x80, s11, s16, $0xb8;
	[tilespmem:$0x1FEA0] =	vst v63  }
0x28: {  	s22 =	simm.s32 $0x13920  }
0x29: {  	[tilespmem:s21], [sflag:$0x3] =	stream.indirect.gather [hbm4b:s1+s16], $0x80, s22, s16, $0xb8;
	[tilespmem:$0x1FEA0] =	vst v63  }
0x2a: {  	_ =	swait.ge [sflag:s15], $0x2800  }
0x2b: {  	[sflag:s15] =	ssyncset.done $0x0  }
0x2c: {  	s20 =	simm.s32 $0x15FE0;
	[sflag:s15] =	ssyncadd.s32 $0xFFFFD800  }
0x2d: {  	[spmem:s3] =	stream.indirect.scatter.add.f32 [tilespmem:s19], [sflag:$0x5], $0x80, s20, s16, $0xb8;
	[tilespmem:$0x1FEA0] =	vst v63  }
0x2e: {  	_ =	swait.ge [sflag:s23], $0x2800  }
0x2f: {  	[sflag:s23] =	ssyncset.done $0x0  }
0x30: {  	[sflag:s23] =	ssyncadd.s32 $0xFFFFD800  }
0x31: {  	[tilespmem:s17], [sflag:$0x1] =	stream.indirect.gather [hbm4b:s1+s16], $0x80, s24, s16, $0xb8;
	[tilespmem:$0x1FEA0] =	vst v63  }
0x32: {  	_ =	swait.ge [sflag:s25], $0x2800  }
0x33: {  	[sflag:s25] =	ssyncset.done $0x0  }
0x34: {  	[sflag:s25] =	ssyncadd.s32 $0xFFFFD800  }
0x35: {  	[spmem:s3] =	stream.indirect.scatter.add.f32 [tilespmem:s21], [sflag:$0x6], $0x80, s26, s16, $0xb8;
	[tilespmem:$0x1FEA0] =	vst v63  }
0x36: {  	_ =	swait.ge [sflag:s28], $0x2800  }
0x37: {  	[sflag:s28] =	ssyncset.done $0x0  }
0x38: {  	[sflag:s28] =	ssyncadd.s32 $0xFFFFD800  }
0x39: {  	[tilespmem:s19], [sflag:$0x2] =	stream.indirect.gather [hbm4b:s1+s16], $0x80, s29, s16, $0xb8;
	[tilespmem:$0x1FEA0] =	vst v63  }
0x3a: {  	_ =	swait.ge [sflag:s14], $0x2800  }
0x3b: {  	[sflag:s14] =	ssyncset.done $0x0  }
0x3c: {  	s22 =	simm.s32 $0x16080;
	[sflag:s14] =	ssyncadd.s32 $0xFFFFD800  }
0x3d: {  	[spmem:s3] =	stream.indirect.scatter.add.f32 [tilespmem:s17], [sflag:$0x4], $0x80, s22, s16, $0xb8;
	[tilespmem:$0x1FEA0] =	vst v63  }
0x3e: {  	_ =	swait.ge [sflag:s30], $0x2800  }
0x3f: {  	[sflag:s30] =	ssyncset.done $0x0  }
0x40: {  	s20 =	simm.s32 $0x13A10;
	[sflag:s30] =	ssyncadd.s32 $0xFFFFD800  }
0x41: {  	[tilespmem:s21], [sflag:$0x3] =	stream.indirect.gather [hbm4b:s1+s16], $0x80, s20, s16, $0xb8;
	[tilespmem:$0x1FEA0] =	vst v63  }
0x42: {  	_ =	swait.ge [sflag:s15], $0x2800  }
0x43: {  	[sflag:s15] =	ssyncset.done $0x0  }
0x44: {  	s22 =	simm.s32 $0x160D0;
	[sflag:s15] =	ssyncadd.s32 $0xFFFFD800  }
0x45: {  	[spmem:s3] =	stream.indirect.scatter.add.f32 [tilespmem:s19], [sflag:$0x5], $0x80, s22, s16, $0xb8;
	[tilespmem:$0x1FEA0] =	vst v63  }
0x46: {  	_ =	swait.ge [sflag:s23], $0x2800  }
0x47: {  	[sflag:s23] =	ssyncset.done $0x0  }
0x48: {  	s20 =	simm.s32 $0x13A60;
	[sflag:s23] =	ssyncadd.s32 $0xFFFFD800  }
0x49: {  	[tilespmem:s17], [sflag:$0x1] =	stream.indirect.gather [hbm4b:s1+s16], $0x80, s20, s16, $0xb8;
	[tilespmem:$0x1FEA0] =	vst v63  }
0x4a: {  	_ =	swait.ge [sflag:s25], $0x2800  }
0x4b: {  	[sflag:s25] =	ssyncset.done $0x0  }
0x4c: {  	s22 =	simm.s32 $0x16120;
	[sflag:s25] =	ssyncadd.s32 $0xFFFFD800  }
0x4d: {  	[spmem:s3] =	stream.indirect.scatter.add.f32 [tilespmem:s21], [sflag:$0x6], $0x80, s22, s16, $0xb8;
	[tilespmem:$0x1FEA0] =	vst v63  }
0x4e: {  	_ =	swait.ge [sflag:s28], $0x2800  }
0x4f: {  	[sflag:s28] =	ssyncset.done $0x0  }
0x50: {  	s18 =	simm.s32 $0x3C0;
	s20 =	simm.s32 $0x13AB0;
	[sflag:s28] =	ssyncadd.s32 $0xFFFFD800  }
.LBB2_2:
0x51: {  	[tilespmem:s19], [sflag:$0x2] =	stream.indirect.gather [hbm4b:s1+s16], $0x80, s20, s16, $0xb8;
	[tilespmem:$0x1FEA0] =	vst v63  }
0x52: {  	s20 =	smov.u32 s18  }
0x53: {  	p1 =	sne.s32 s18, $0x9240;
	s18 =	sadd.s32 $0x3C0, s18;
	_ =	swait.ge [sflag:s14], $0x2800  }
0x54: {  	s20 =	sshra.s32 s20, $0x2;
	[sflag:s14] =	ssyncset.done $0x0  }
0x55: {  	s22 =	sadd.s32 $0x16080, s20;
	[sflag:s14] =	ssyncadd.s32 $0xFFFFD800  }
0x56: {  	[spmem:s3] =	stream.indirect.scatter.add.f32 [tilespmem:s17], [sflag:$0x4], $0x80, s22, s16, $0xb8;
	[tilespmem:$0x1FEA0] =	vst v63  }
0x57: {  	_ =	swait.ge [sflag:s30], $0x2800  }
0x58: {  	[sflag:s30] =	ssyncset.done $0x0  }
0x59: {  	s22 =	sadd.s32 $0x13A10, s20;
	[sflag:s30] =	ssyncadd.s32 $0xFFFFD800  }
0x5a: {  	[tilespmem:s21], [sflag:$0x3] =	stream.indirect.gather [hbm4b:s1+s16], $0x80, s22, s16, $0xb8;
	[tilespmem:$0x1FEA0] =	vst v63  }
0x5b: {  	_ =	swait.ge [sflag:s15], $0x2800  }
0x5c: {  	[sflag:s15] =	ssyncset.done $0x0  }
0x5d: {  	s22 =	sadd.s32 $0x160D0, s20;
	[sflag:s15] =	ssyncadd.s32 $0xFFFFD800  }
0x5e: {  	[spmem:s3] =	stream.indirect.scatter.add.f32 [tilespmem:s19], [sflag:$0x5], $0x80, s22, s16, $0xb8;
	[tilespmem:$0x1FEA0] =	vst v63  }
0x5f: {  	_ =	swait.ge [sflag:s23], $0x2800  }
0x60: {  	[sflag:s23] =	ssyncset.done $0x0  }
0x61: {  	s22 =	sadd.s32 $0x13A60, s20;
	[sflag:s23] =	ssyncadd.s32 $0xFFFFD800  }
0x62: {  	[tilespmem:s17], [sflag:$0x1] =	stream.indirect.gather [hbm4b:s1+s16], $0x80, s22, s16, $0xb8;
	[tilespmem:$0x1FEA0] =	vst v63  }
0x63: {  	_ =	swait.ge [sflag:s25], $0x2800  }
0x64: {  	[sflag:s25] =	ssyncset.done $0x0  }
.Ltmp0:
0x65: {  	s22 =	sadd.s32 $0x16120, s20;
	[sflag:s25] =	ssyncadd.s32 $0xFFFFD800;
	(pc) =	sbr.rel @p1 .LBB2_2-.Ltmp0, $4  }
0x66: {  	[spmem:s3] =	stream.indirect.scatter.add.f32 [tilespmem:s21], [sflag:$0x6], $0x80, s22, s16, $0xb8;
	[tilespmem:$0x1FEA0] =	vst v63  }
0x67: {  	_ =	swait.ge [sflag:s28], $0x2800  }
0x68: {  	[sflag:s28] =	ssyncset.done $0x0  }
0x69: {  	s20 =	sadd.s32 $0x13AB0, s20;
	[sflag:s28] =	ssyncadd.s32 $0xFFFFD800  }
0x6a: {  	[tilespmem:s19], [sflag:$0x2] =	stream.indirect.gather [hbm4b:s1+s16], $0x80, s20, s16, $0xb8;
	[tilespmem:$0x1FEA0] =	vst v63  }
0x6b: {  	_ =	swait.ge [sflag:s14], $0x2800  }
0x6c: {  	[sflag:s14] =	ssyncset.done $0x0  }
0x6d: {  	[sflag:s14] =	ssyncadd.s32 $0xFFFFD800  }
0x6e: {  	[spmem:s3] =	stream.indirect.scatter.add.f32 [tilespmem:s17], [sflag:$0x4], $0x80, s31, s16, $0xb8;
	[tilespmem:$0x1FEA0] =	vst v63  }
0x6f: {  	_ =	swait.ge [sflag:s15], $0x2800  }
0x70: {  	[sflag:s15] =	ssyncset.done $0x0  }
0x71: {  	[sflag:s15] =	ssyncadd.s32 $0xFFFFD800  }
0x72: {  	[spmem:s3] =	stream.indirect.scatter.add.f32 [tilespmem:s19], [sflag:$0x5], $0x80, s2, s16, $0xb8;
	[tilespmem:$0x1FEA0] =	vst v63  }
0x73: {  	_ =	swait.ge [sflag:s23], $0x2800  }
0x74: {  	[sflag:s23] =	ssyncset.done $0x0  }
0x75: {  	[sflag:s23] =	ssyncadd.s32 $0xFFFFD800  }
0x76: {  	_ =	swait.ge [sflag:s28], $0x2800  }
0x77: {  	[sflag:s28] =	ssyncset.done $0x0  }
0x78: {  	[sflag:s28] =	ssyncadd.s32 $0xFFFFD800  }
0x79: {  	_ =	swait.ge [sflag:s30], $0x2800  }
0x7a: {  	s0 =	sadd.s32 $0x1, s0;
	[sflag:s30] =	ssyncset.done $0x0  }
0x7b: {  	p1 =	sne.s32 s0, s9;
	[sflag:s30] =	ssyncadd.s32 $0xFFFFD800  }
.Ltmp1:
0x7c: {  	s18 =	simm.s32 @!p0 $0x7;
	[bflag:$0x0] =	sbarrier.arrive $0xFFFF;
	(pc) =	sbr.rel @p1 .LBB2_1-.Ltmp1, $4  }
0x7d: {  	[hbm:s8], [sflag:s12] =	dma.local @!p0 [spmem:s13], $0x3E80  }
0x7e: {  	_ =	swait.ge @!p0 [sflag:s18], $0x3E80  }
0x7f: {  	[sflag:s18] =	ssyncset.done @!p0 $0x0  }
0x80: {  	[sflag:s18] =	ssyncadd.s32 @!p0 $0xFFFFC180  }
0x81: {  	_ =	sfence.sel $0x180000  }
0x82: {  	[bflag:$0x0] =	sbarrier.arrive $0xFFFF  }
0x83: {  	_ =	strace $0x9000004A  }
0x84: {  	s0 =	stileid.u32;
	[bflag:$0x2] =	sbarrier.arrive $0xFFFF  }
0x85: {  	p0 =	sne.s32 s0, $0x0;
	s0 =	rddreg [dreg:$0x3]  }
0x86: {  	s0 =	sadd.s32 @!p0 $0x100000, s0  }
0x87: {  	[sflag:s0] =	ssyncadd.tile.s32 @!p0 $0x1;
	_ =	shalt  }
.Lfunc_end2:
_tile_overlayer_lowered:
.L_overlay_start_2:
0x88: {  	(tag) =	ssettag $0x2  }
0x89: {  	s0 =	rddreg [dreg:$0x0];
	s2 =	stileid.u32  }
0x8a: {  	s1 =	rddreg [dreg:$0x1];
	p0 =	sne.s32 s2, $0x0  }
0x8b: {  	s3 =	rddreg [dreg:$0x2];
	[bflag:$0x3] =	sbarrier.arrive $0xFFFF;
	s2 =	simm.s32 @!p0 $0x1C07  }
0x8c: {  	[timem:s3], [sflag:s2] =	dma.local @!p0 [hbm:s0], s1  }
0x8d: {  	s0 =	simm.s32 @!p0 $0x7  }
0x8e: {  	_ =	swait.ge @!p0 [sflag:s0], s1  }
0x8f: {  	s1 =	ssub.s32 @!p0 $0x0, s1;
	[sflag:s0] =	ssyncset.done @!p0 $0x0  }
0x90: {  	[sflag:s0] =	ssyncadd.s32 @!p0 s1  }
0x91: {  	[bflag:$0x3] =	sbarrier.arrive $0xFFFF  }
0x92: {  	_ =	shalt  }

// kernel: kernel.14.cloned.1.call-start
scs
__scs_entry_jumppad:
0x0: {  	(pc) =	sbr.rel $0x88, $3  }
0x1: {  	(tag) =	ssettag $0x0;
	lr =	simm.s32 $0x1  }
0x2: {  	[smem:$0x3F9B] =	sst lr;
	_ =	strace $0xD0000000  }
0x3: {  	_ = 	snop  }
0x4: {  	_ = 	snop  }
0x5: {  	_ = 	snop  }
0x6: {  	_ = 	snop  }
0x7: {  	_ = 	snop  }
__scs_overlays_trampoline_lowered:
0x8: {  	[smem:$0x3FAA] =	sst s0  }
0x9: {  	[smem:$0x3FAB] =	sst s1  }
0xa: {  	[smem:$0x3FAC] =	sst s2  }
0xb: {  	[smem:$0x3FAD] =	sst s3  }
0xc: {  	[smem:$0x3FAE] =	sst s4  }
0xd: {  	[smem:$0x3FAF] =	sst s5  }
0xe: {  	[smem:$0x3FB0] =	sst s6  }
0xf: {  	[smem:$0x3FB1] =	sst s7  }
0x10: {  	[smem:$0x3FB2] =	sst s8  }
0x11: {  	[smem:$0x3FB3] =	sst s9;
	s0 =	simm.s32 @!p0 $0x0  }
0x12: {  	s1 =	sld [smem:$0x3F99];
	s0 =	simm.s32 @p0 $0x1  }
0x13: {  	[smem:$0x3FB4] =	sst s0;
	s0 =	simm.s32 @!p1 $0x0  }
0x14: {  	s2 =	sld [smem:$0x3F98];
	s0 =	simm.s32 @p1 $0x1  }
0x15: {  	[smem:$0x3FB5] =	sst s0;
	s0 =	simm.s32 @!p2 $0x0  }
0x16: {  	s3 =	sld [smem:$0x3FDB];
	s0 =	simm.s32 @p2 $0x1  }
0x17: {  	s4 =	simm.s32 $0x1BF5;
	[smem:$0x3FB7] =	sst s0  }
0x18: {  	s0 =	sld [smem:$0x3F9A];
	_ =	swait.ge [sflag:s4], $0x0  }
0x19: {  	s7 =	sld [smem:$0x3F9B]  }
0x1a: {  	s8 =	sadd.s32 $0xFFFFE003, lr  }
0x1b: {  	s9 =	sadd.s32 $0xFFFFFEF7, lr;
	s5 =	simm.s32 $0xFFFFFFFF;
	p2 =	slt.u32 s8, $0xFFFFF086  }
0x1c: {  	p1 =	slt.u32 s9, $0xF7A;
	s5 =	simm.s32 @!p2 $0x0  }
0x1d: {  	s5 =	simm.s32 @p1 $0x1;
	p0 =	seq.s32 s7, s2  }
0x1e: {  	s7 =	smul.u32 @!p0 $0xF7A, s2;
	p2 =	seq.s32 @!p0 s5, $0x0  }
0x1f: {  	s9 =	smul.u32 $0xF7A, s1;
	s8 =	simm.s32 @!p0 $0x1BF5;
	p2 =	por !p2, p0  }
0x20: {  	[sflag:s8] =	ssyncset.s32 @!p0 $0xFFFFF086;
	s6 =	sadd.s32 @!p0 s3, s7;
	s7 =	simm.s32 @!p0 $0x108  }
0x21: {  	s3 =	sadd.s32 s3, s9;
	s6 =	sadd.s32 @!p0 $0x88, s6;
	s7 =	simm.s32 @p2 $0x1082  }
0x22: {  	[simem:s7], [sflag:s8] =	dma.local @!p0 [hbm:s6], $0xF7A  }
0x23: {  	s9 =	sor.u32 $0xD0000000, s2;
	s6 =	simm.s32 $0x108;
	_ =	swait.ge @!p0 [sflag:s8], $0x0  }
0x24: {  	s3 =	sadd.s32 $0x88, s3;
	s6 =	simm.s32 @!p1 $0x1082;
	[sflag:s4] =	ssyncset.s32 $0xFFFFF086  }
0x25: {  	[simem:s6], [sflag:s4] =	dma.local [hbm:s3], $0xF7A  }
0x26: {  	[smem:$0x3F9B] =	sst s1;
	(tag) =	ssettag s2;
	_ =	strace s9  }
0x27: {  	s1 =	sld [smem:$0x3FAB]  }
0x28: {  	s2 =	sld [smem:$0x3FAC]  }
0x29: {  	s4 =	sld [smem:$0x3FAE]  }
0x2a: {  	p0 =	seq.s32 s5, $0x0;
	s5 =	sld [smem:$0x3FAF]  }
0x2b: {  	s6 =	sld [smem:$0x3FB0]  }
0x2c: {  	s7 =	sld [smem:$0x3FB1]  }
0x2d: {  	s3 =	simm.s32 $0x108;
	s8 =	sld [smem:$0x3FB2]  }
0x2e: {  	s3 =	simm.s32 @!p0 $0x1082;
	s9 =	sld [smem:$0x3FB3]  }
0x2f: {  	lr =	sadd.s32 s0, s3;
	s0 =	sld [smem:$0x3FAA]  }
0x30: {  	s3 =	sld [smem:$0x3FAD]  }
0x31: {  	[smem:$0x3FB6] =	sst s10  }
0x32: {  	s10 =	sld [smem:$0x3FB4];
	_ =	sdelay $0x3  }
0x33: {  	p0 =	seq.s32 s10, $0x1;
	s10 =	sld [smem:$0x3FB6];
	_ =	sdelay $0x3  }
0x34: {  	[smem:$0x3FB6] =	sst s10  }
0x35: {  	s10 =	sld [smem:$0x3FB5];
	_ =	sdelay $0x3  }
0x36: {  	p1 =	seq.s32 s10, $0x1;
	s10 =	sld [smem:$0x3FB6];
	_ =	sdelay $0x3  }
0x37: {  	[smem:$0x3FB6] =	sst s10  }
0x38: {  	s10 =	sld [smem:$0x3FB7]  }
0x39: {  	_ = 	snop;
	(pc) =	sbr.ind lr, $3  }
0x3a: {  	_ = 	snop  }
0x3b: {  	_ = 	snop  }
0x3c: {  	p2 =	seq.s32 s10, $0x1;
	s10 =	sld [smem:$0x3FB6]  }
0x3d: {  	_ =	shalt  }
0x3e: {  	_ =	shalt  }
0x3f: {  	_ =	shalt  }
0x40: {  	_ =	shalt  }
0x41: {  	_ =	shalt  }
0x42: {  	_ =	shalt  }
0x43: {  	_ =	shalt  }
0x44: {  	_ =	shalt  }
0x45: {  	_ =	shalt  }
0x46: {  	_ =	shalt  }
0x47: {  	_ =	shalt  }
0x48: {  	_ =	shalt  }
0x49: {  	_ =	shalt  }
0x4a: {  	_ =	shalt  }
0x4b: {  	_ =	shalt  }
0x4c: {  	_ =	shalt  }
0x4d: {  	_ =	shalt  }
0x4e: {  	_ =	shalt  }
0x4f: {  	_ =	shalt  }
0x50: {  	_ =	shalt  }
0x51: {  	_ =	shalt  }
0x52: {  	_ =	shalt  }
0x53: {  	_ =	shalt  }
0x54: {  	_ =	shalt  }
0x55: {  	_ =	shalt  }
0x56: {  	_ =	shalt  }
0x57: {  	_ =	shalt  }
0x58: {  	_ =	shalt  }
0x59: {  	_ =	shalt  }
0x5a: {  	_ =	shalt  }
0x5b: {  	_ =	shalt  }
0x5c: {  	_ =	shalt  }
0x5d: {  	_ =	shalt  }
0x5e: {  	_ =	shalt  }
0x5f: {  	_ =	shalt  }
0x60: {  	_ =	shalt  }
0x61: {  	_ =	shalt  }
0x62: {  	_ =	shalt  }
0x63: {  	_ =	shalt  }
0x64: {  	_ =	shalt  }
0x65: {  	_ =	shalt  }
0x66: {  	_ =	shalt  }
0x67: {  	_ =	shalt  }
0x68: {  	_ =	shalt  }
0x69: {  	_ =	shalt  }
0x6a: {  	_ =	shalt  }
0x6b: {  	_ =	shalt  }
0x6c: {  	_ =	shalt  }
0x6d: {  	_ =	shalt  }
0x6e: {  	_ =	shalt  }
0x6f: {  	_ =	shalt  }
0x70: {  	_ =	shalt  }
0x71: {  	_ =	shalt  }
0x72: {  	_ =	shalt  }
0x73: {  	_ =	shalt  }
0x74: {  	_ =	shalt  }
0x75: {  	_ =	shalt  }
0x76: {  	_ =	shalt  }
0x77: {  	_ =	shalt  }
0x78: {  	_ =	shalt  }
0x79: {  	_ =	shalt  }
0x7a: {  	_ =	shalt  }
0x7b: {  	_ =	shalt  }
0x7c: {  	_ =	shalt  }
0x7d: {  	_ =	shalt  }
0x7e: {  	_ =	shalt  }
0x7f: {  	_ =	shalt  }
0x80: {  	_ =	shalt  }
0x81: {  	_ =	shalt  }
0x82: {  	_ =	shalt  }
0x83: {  	_ =	shalt  }
0x84: {  	_ =	shalt  }
0x85: {  	_ =	shalt  }
0x86: {  	_ =	shalt  }
0x87: {  	_ =	shalt  }
.Lfunc_end0:
.L_simem_size_0:
called_computation.2_lowered:
.L_overlay_start_0:
0x88: {  	s2 =	sld [smem:$0x3FD9]  }
0x89: {  	s3 =	sld [smem:$0x3FFE];
	_ =	sdelay $0x1  }
0x8a: {  	s1 =	srdreg.scid  }
0x8b: {  	s0 =	sand.u32 $0x1, s1  }
0x8c: {  	s17 =	sshll.u32 s0, $0xA;
	s2 =	sadd.s32 s3, s2  }
0x8d: {  	s2 =	sadd.s32 s2, s17  }
0x8e: {  	[smem:$0x3FC2] =	sst s2  }
0x8f: {  	_ = 	snop  }
0x90: {  	s2 =	sld [smem:$0x3FD0];
	(tm) =	ssettm $0x1  }
0x91: {  	s18 =	sld [smem:$0x3FFB];
	_ =	sdelay $0x3  }
0x92: {  	_ =	strace s18  }
0x93: {  	s3 =	sld [smem:$0x3FFC];
	_ =	sdelay $0x3  }
0x94: {  	_ =	strace s3  }
0x95: {  	s3 =	sld [smem:$0x3FFD];
	_ =	sdelay $0x3  }
0x96: {  	_ =	strace s3  }
0x97: {  	_ =	strace $0x8FFFFFFF  }
0x98: {  	s19 =	sld [smem:$0x3FDB];
	_ =	sdelay $0x1  }
0x99: {  	s4 =	simm.s32 $_scs_section_size  }
0x9a: {  	s5 =	simm.s32 $_size__tile_overlayer_lowered;
	s6 =	simm.s32 $_tile_overlayer_lowered  }
0x9b: {  	s22 =	simm.s32 $0x1BFF;
	s21 =	sshll.u32 s6, $0x1;
	s3 =	sadd.s32 s4, s19  }
0x9c: {  	s7 =	simm.s32 $0x0;
	s20 =	sshll.u32 s5, $0x1;
	s5 =	sadd.s32 s21, s3  }
0x9d: {  	[timem:s7], [sflag:s22] =	dma.local [hbm:s5], s20  }
0x9e: {  	_ =	swait.ge [sflag:s22], s20  }
0x9f: {  	s4 =	ssub.s32 $0x0, s20;
	[sflag:s22] =	ssyncset.done $0x0  }
0xa0: {  	[sflag:s22] =	ssyncadd.s32 s4;
	_ =	sdelay $0x1  }
0xa1: {  	s23 =	simm.s32 $0x1B8B  }
0xa2: {  	_ =	swait.ge [sflag:s23], $0x1  }
0xa3: {  	[sflag:s23] =	ssyncset.done $0x0  }
0xa4: {  	s25 =	simm.s32 $0x1B8E;
	s24 =	sld [smem:$0x3FFE];
	[sflag:s23] =	ssyncadd.s32 $0xFFFFFFFF  }
0xa5: {  	s26 =	simm.s32 $execute0_lowered;
	[smem:$0x3FD2] =	sst s25  }
0xa6: {  	s5 =	sshll.u32 s26, $0x1;
	_ =	strace $0x8000004C;
	[dreg:$0x1] =	wrdreg $0xFFFFFFFF  }
0xa7: {  	s28 =	simm.s32 $_size_execute0_lowered;
	s3 =	sadd.s32 s3, s5;
	[dreg:$0x0] =	wrdreg $0x0  }
0xa8: {  	s5 =	sshll.u32 s28, $0x1;
	[dreg:$0x2] =	wrdreg s3  }
0xa9: {  	[dreg:$0x3] =	wrdreg s5  }
0xaa: {  	[dreg:$0x4] =	wrdreg $0xC0  }
0xab: {  	_ =	task [dreg:s7], $0x5FFFF  }
0xac: {  	[dreg:$0x1] =	wrdreg $0xFFFFFFFF  }
0xad: {  	[dreg:$0x0] =	wrdreg $0x60  }
0xae: {  	[dreg:$0x2] =	wrdreg s2  }
0xaf: {  	[dreg:$0x3] =	wrdreg s24  }
0xb0: {  	[dreg:$0x4] =	wrdreg $0x0  }
0xb1: {  	[dreg:$0x5] =	wrdreg $0x9  }
0xb2: {  	_ =	task.clear_ibuf [dreg:s7], $0x6FFFF;
	_ =	strace $0x9000004C  }
0xb3: {  	s29 =	simm.s32 $0x9;
	_ =	strace $0x8000004E  }
0xb4: {  	_ =	swait.ge [sflag:s29], $0x1  }
0xb5: {  	[sflag:s29] =	ssyncadd.s32 $0xFFFFFFFF  }
0xb6: {  	_ =	strace $0x9000004E  }
0xb7: {  	_ =	sfence  }
0xb8: {  	s30 =	sld [smem:$0x0];
	_ =	sdelay $0x2  }
0xb9: {  	s31 =	sshll.u32 s1, $0xD;
	s1 =	sshrl.u32 s1, $0x2  }
0xba: {  	s3 =	sand.u32 $0x4000, s31;
	s1 =	sadd.s32 s1, s30  }
0xbb: {  	s0 =	sor.u32 s3, s0;
	s1 =	sshll.u32 s1, $0x11  }
0xbc: {  	s0 =	sor.u32 s1, s0  }
0xbd: {  	s0 =	sadd.s32 $0x8F2B, s0  }
0xbe: {  	[sflag:s0] =	ssyncadd.remote.s32 $0x1  }
0xbf: {  	_ =	sfence.sel $0xFFFF  }
0xc0: {  	[dreg:$0x0] =	wrdreg $0xFFFFFFFF;
	(pc) =	sbr.abs _section_cstart, $3  }
0xc1: {  	[dreg:$0x1] =	wrdreg $0xFFFFFFFF  }
0xc2: {  	_ =	task.clear_ibuf [dreg:s7], $0x2FFFF;
	_ =	strace $0x9FFFFFFF  }
0xc3: {  	(tm) =	ssettm $0x7FFFFFFF  }
tec
execute0_lowered:
.L_overlay_start_1:
0x0: {  	(tag) =	ssettag $0x1  }
0x1: {  	s1 =	rddreg [dreg:$0x0]  }
0x2: {  	s0 =	srdreg.scid;
	s2 =	rddreg [dreg:$0x1]  }
0x3: {  	s12 =	stileid.u32;
	s3 =	rddreg [dreg:$0x2]  }
0x4: {  	s4 =	simm.s32 $0x0;
	s10 =	simm.s32 $0x13880;
	s11 =	simm.s32 $0x15F90  }
0x5: {  	s14 =	simm.s32 $0x1;
	s15 =	simm.s32 $0x2;
	s16 =	simm.s32 $0x50  }
0x6: {  	s17 =	simm.s32 $0x186A0;
	s19 =	simm.s32 $0x1AEA0;
	s21 =	simm.s32 $0x1D6A0  }
0x7: {  	s23 =	simm.s32 $0x4;
	s24 =	simm.s32 $0x13970;
	s25 =	simm.s32 $0x3  }
0x8: {  	s28 =	simm.s32 $0x5;
	s29 =	simm.s32 $0x139C0;
	s5 =	smul.u32 $0x2710, s12  }
0x9: {  	s30 =	simm.s32 $0x6;
	s31 =	simm.s32 $0x18600;
	s7 =	smul.u32 $0x3E80, s12  }
0xa: {  	s0 =	sand.u32 $0x1, s0;
	[smem:$0x7FF] =	sst s4;
	s9 =	smul.u32 $0x7D000, s12  }
0xb: {  	p0 =	sgt.u32 s12, $0x9;
	s6 =	smul.u32 $0x27100, s0;
	s0 =	ssub.s32 $0x2, s0  }
0xc: {  	_ =	strace $0x8000004D;
	s26 =	sshrl.u32 s0, $0x1;
	s9 =	sshrl.u32 s9, $0x2  }
0xd: {  	s5 =	sadd.s32 s5, s6;
	s6 =	sadd.s32 s7, s6;
	s0 =	ssub.s32 s0, s26  }
0xe: {  	s13 =	sadd.s32 s9, s3;
	s26 =	simm.s32 $0x16030;
	s5 =	sshrl.u32 s5, $0x3  }
0xf: {  	s9 =	smax.u32 s0, $0x1;
	s0 =	sshll.u32 @!p0 s12, $0x6;
	s13 =	sshrl.u32 @!p0 s13, $0x3  }
0x10: {  	s8 =	sadd.s32 s5, s2;
	s5 =	sadd.s32 $0x16000, s2;
	s2 =	sadd.s32 s6, s2  }
0x11: {  	s12 =	sor.u32 @!p0 $0x1C07, s0;
	s0 =	simm.s32 $0x0;
	s6 =	sadd.s32 $0x2600, s8  }
0x12: {  	s7 =	sadd.s32 $0xC240, s8;
	s8 =	sadd.s32 $0x1A000, s2;
	s2 =	simm.s32 $0x18650  }
.LBB2_1:
0x13: {  	[tilespmem:s10], [sflag:$0x1] =	stream.linear.gather [hbm4b:s6+s4], $0x2710, $0x38;
	[tilespmem:$0x1FEA0] =	vst v63  }
0x14: {  	s18 =	simm.s32 @!p0 $0x7  }
0x15: {  	[tilespmem:s11], [sflag:$0x2] =	stream.linear.gather [hbm4b:s7+s4], $0x2710, $0x38;
	[tilespmem:$0x1FEA0] =	vst v63  }
0x16: {  	[spmem:s13], [sflag:s12] =	dma.local @!p0 [hbm:s5], $0x3E80  }
0x17: {  	_ =	swait.ge @!p0 [sflag:s18], $0x3E80  }
0x18: {  	[sflag:s18] =	ssyncset.done @!p0 $0x0  }
0x19: {  	[sflag:s18] =	ssyncadd.s32 @!p0 $0xFFFFC180  }
0x1a: {  	_ =	swait.ge [sflag:s14], $0x2710  }
0x1b: {  	[sflag:s14] =	ssyncset.done $0x0  }
0x1c: {  	[sflag:s14] =	ssyncadd.s32 $0xFFFFD8F0  }
0x1d: {  	_ =	swait.ge [sflag:s15], $0x2710  }
0x1e: {  	[sflag:s15] =	ssyncset.done $0x0  }
0x1f: {  	[sflag:s15] =	ssyncadd.s32 $0xFFFFD8F0  }
0x20: {  	[tilespmem:s17], [sflag:$0x1] =	stream.indirect.gather [hbm4b:s1+s16], $0x80, s10, s16, $0xb8;
	[tilespmem:$0x1FEA0] =	vst v63  }
0x21: {  	s20 =	simm.s32 $0x138D0  }
0x22: {  	[tilespmem:s19], [sflag:$0x2] =	stream.indirect.gather [hbm4b:s1+s16], $0x80, s20, s16, $0xb8;
	[tilespmem:$0x1FEA0] =	vst v63  }
0x23: {  	[bflag:$0x0] =	sbarrier.arrive $0xFFFF  }
0x24: {  	_ =	swait.ge [sflag:s14], $0x2800  }
0x25: {  	[sflag:s14] =	ssyncset.done $0x0  }
0x26: {  	[sflag:s14] =	ssyncadd.s32 $0xFFFFD800  }
0x27: {  	[spmem:s3] =	stream.indirect.scatter.add.f32 [tilespmem:s17], [sflag:$0x4], $0x80, s11, s16, $0xb8;
	[tilespmem:$0x1FEA0] =	vst v63  }
0x28: {  	s22 =	simm.s32 $0x13920  }
0x29: {  	[tilespmem:s21], [sflag:$0x3] =	stream.indirect.gather [hbm4b:s1+s16], $0x80, s22, s16, $0xb8;
	[tilespmem:$0x1FEA0] =	vst v63  }
0x2a: {  	_ =	swait.ge [sflag:s15], $0x2800  }
0x2b: {  	[sflag:s15] =	ssyncset.done $0x0  }
0x2c: {  	s20 =	simm.s32 $0x15FE0;
	[sflag:s15] =	ssyncadd.s32 $0xFFFFD800  }
0x2d: {  	[spmem:s3] =	stream.indirect.scatter.add.f32 [tilespmem:s19], [sflag:$0x5], $0x80, s20, s16, $0xb8;
	[tilespmem:$0x1FEA0] =	vst v63  }
0x2e: {  	_ =	swait.ge [sflag:s23], $0x2800  }
0x2f: {  	[sflag:s23] =	ssyncset.done $0x0  }
0x30: {  	[sflag:s23] =	ssyncadd.s32 $0xFFFFD800  }
0x31: {  	[tilespmem:s17], [sflag:$0x1] =	stream.indirect.gather [hbm4b:s1+s16], $0x80, s24, s16, $0xb8;
	[tilespmem:$0x1FEA0] =	vst v63  }
0x32: {  	_ =	swait.ge [sflag:s25], $0x2800  }
0x33: {  	[sflag:s25] =	ssyncset.done $0x0  }
0x34: {  	[sflag:s25] =	ssyncadd.s32 $0xFFFFD800  }
0x35: {  	[spmem:s3] =	stream.indirect.scatter.add.f32 [tilespmem:s21], [sflag:$0x6], $0x80, s26, s16, $0xb8;
	[tilespmem:$0x1FEA0] =	vst v63  }
0x36: {  	_ =	swait.ge [sflag:s28], $0x2800  }
0x37: {  	[sflag:s28] =	ssyncset.done $0x0  }
0x38: {  	[sflag:s28] =	ssyncadd.s32 $0xFFFFD800  }
0x39: {  	[tilespmem:s19], [sflag:$0x2] =	stream.indirect.gather [hbm4b:s1+s16], $0x80, s29, s16, $0xb8;
	[tilespmem:$0x1FEA0] =	vst v63  }
0x3a: {  	_ =	swait.ge [sflag:s14], $0x2800  }
0x3b: {  	[sflag:s14] =	ssyncset.done $0x0  }
0x3c: {  	s22 =	simm.s32 $0x16080;
	[sflag:s14] =	ssyncadd.s32 $0xFFFFD800  }
0x3d: {  	[spmem:s3] =	stream.indirect.scatter.add.f32 [tilespmem:s17], [sflag:$0x4], $0x80, s22, s16, $0xb8;
	[tilespmem:$0x1FEA0] =	vst v63  }
0x3e: {  	_ =	swait.ge [sflag:s30], $0x2800  }
0x3f: {  	[sflag:s30] =	ssyncset.done $0x0  }
0x40: {  	s20 =	simm.s32 $0x13A10;
	[sflag:s30] =	ssyncadd.s32 $0xFFFFD800  }
0x41: {  	[tilespmem:s21], [sflag:$0x3] =	stream.indirect.gather [hbm4b:s1+s16], $0x80, s20, s16, $0xb8;
	[tilespmem:$0x1FEA0] =	vst v63  }
0x42: {  	_ =	swait.ge [sflag:s15], $0x2800  }
0x43: {  	[sflag:s15] =	ssyncset.done $0x0  }
0x44: {  	s22 =	simm.s32 $0x160D0;
	[sflag:s15] =	ssyncadd.s32 $0xFFFFD800  }
0x45: {  	[spmem:s3] =	stream.indirect.scatter.add.f32 [tilespmem:s19], [sflag:$0x5], $0x80, s22, s16, $0xb8;
	[tilespmem:$0x1FEA0] =	vst v63  }
0x46: {  	_ =	swait.ge [sflag:s23], $0x2800  }
0x47: {  	[sflag:s23] =	ssyncset.done $0x0  }
0x48: {  	s20 =	simm.s32 $0x13A60;
	[sflag:s23] =	ssyncadd.s32 $0xFFFFD800  }
0x49: {  	[tilespmem:s17], [sflag:$0x1] =	stream.indirect.gather [hbm4b:s1+s16], $0x80, s20, s16, $0xb8;
	[tilespmem:$0x1FEA0] =	vst v63  }
0x4a: {  	_ =	swait.ge [sflag:s25], $0x2800  }
0x4b: {  	[sflag:s25] =	ssyncset.done $0x0  }
0x4c: {  	s22 =	simm.s32 $0x16120;
	[sflag:s25] =	ssyncadd.s32 $0xFFFFD800  }
0x4d: {  	[spmem:s3] =	stream.indirect.scatter.add.f32 [tilespmem:s21], [sflag:$0x6], $0x80, s22, s16, $0xb8;
	[tilespmem:$0x1FEA0] =	vst v63  }
0x4e: {  	_ =	swait.ge [sflag:s28], $0x2800  }
0x4f: {  	[sflag:s28] =	ssyncset.done $0x0  }
0x50: {  	s18 =	simm.s32 $0x3C0;
	s20 =	simm.s32 $0x13AB0;
	[sflag:s28] =	ssyncadd.s32 $0xFFFFD800  }
.LBB2_2:
0x51: {  	[tilespmem:s19], [sflag:$0x2] =	stream.indirect.gather [hbm4b:s1+s16], $0x80, s20, s16, $0xb8;
	[tilespmem:$0x1FEA0] =	vst v63  }
0x52: {  	s20 =	smov.u32 s18  }
0x53: {  	p1 =	sne.s32 s18, $0x9240;
	s18 =	sadd.s32 $0x3C0, s18;
	_ =	swait.ge [sflag:s14], $0x2800  }
0x54: {  	s20 =	sshra.s32 s20, $0x2;
	[sflag:s14] =	ssyncset.done $0x0  }
0x55: {  	s22 =	sadd.s32 $0x16080, s20;
	[sflag:s14] =	ssyncadd.s32 $0xFFFFD800  }
0x56: {  	[spmem:s3] =	stream.indirect.scatter.add.f32 [tilespmem:s17], [sflag:$0x4], $0x80, s22, s16, $0xb8;
	[tilespmem:$0x1FEA0] =	vst v63  }
0x57: {  	_ =	swait.ge [sflag:s30], $0x2800  }
0x58: {  	[sflag:s30] =	ssyncset.done $0x0  }
0x59: {  	s22 =	sadd.s32 $0x13A10, s20;
	[sflag:s30] =	ssyncadd.s32 $0xFFFFD800  }
0x5a: {  	[tilespmem:s21], [sflag:$0x3] =	stream.indirect.gather [hbm4b:s1+s16], $0x80, s22, s16, $0xb8;
	[tilespmem:$0x1FEA0] =	vst v63  }
0x5b: {  	_ =	swait.ge [sflag:s15], $0x2800  }
0x5c: {  	[sflag:s15] =	ssyncset.done $0x0  }
0x5d: {  	s22 =	sadd.s32 $0x160D0, s20;
	[sflag:s15] =	ssyncadd.s32 $0xFFFFD800  }
0x5e: {  	[spmem:s3] =	stream.indirect.scatter.add.f32 [tilespmem:s19], [sflag:$0x5], $0x80, s22, s16, $0xb8;
	[tilespmem:$0x1FEA0] =	vst v63  }
0x5f: {  	_ =	swait.ge [sflag:s23], $0x2800  }
0x60: {  	[sflag:s23] =	ssyncset.done $0x0  }
0x61: {  	s22 =	sadd.s32 $0x13A60, s20;
	[sflag:s23] =	ssyncadd.s32 $0xFFFFD800  }
0x62: {  	[tilespmem:s17], [sflag:$0x1] =	stream.indirect.gather [hbm4b:s1+s16], $0x80, s22, s16, $0xb8;
	[tilespmem:$0x1FEA0] =	vst v63  }
0x63: {  	_ =	swait.ge [sflag:s25], $0x2800  }
0x64: {  	[sflag:s25] =	ssyncset.done $0x0  }
.Ltmp0:
0x65: {  	s22 =	sadd.s32 $0x16120, s20;
	[sflag:s25] =	ssyncadd.s32 $0xFFFFD800;
	(pc) =	sbr.rel @p1 .LBB2_2-.Ltmp0, $4  }
0x66: {  	[spmem:s3] =	stream.indirect.scatter.add.f32 [tilespmem:s21], [sflag:$0x6], $0x80, s22, s16, $0xb8;
	[tilespmem:$0x1FEA0] =	vst v63  }
0x67: {  	_ =	swait.ge [sflag:s28], $0x2800  }
0x68: {  	[sflag:s28] =	ssyncset.done $0x0  }
0x69: {  	s20 =	sadd.s32 $0x13AB0, s20;
	[sflag:s28] =	ssyncadd.s32 $0xFFFFD800  }
0x6a: {  	[tilespmem:s19], [sflag:$0x2] =	stream.indirect.gather [hbm4b:s1+s16], $0x80, s20, s16, $0xb8;
	[tilespmem:$0x1FEA0] =	vst v63  }
0x6b: {  	_ =	swait.ge [sflag:s14], $0x2800  }
0x6c: {  	[sflag:s14] =	ssyncset.done $0x0  }
0x6d: {  	[sflag:s14] =	ssyncadd.s32 $0xFFFFD800  }
0x6e: {  	[spmem:s3] =	stream.indirect.scatter.add.f32 [tilespmem:s17], [sflag:$0x4], $0x80, s31, s16, $0xb8;
	[tilespmem:$0x1FEA0] =	vst v63  }
0x6f: {  	_ =	swait.ge [sflag:s15], $0x2800  }
0x70: {  	[sflag:s15] =	ssyncset.done $0x0  }
0x71: {  	[sflag:s15] =	ssyncadd.s32 $0xFFFFD800  }
0x72: {  	[spmem:s3] =	stream.indirect.scatter.add.f32 [tilespmem:s19], [sflag:$0x5], $0x80, s2, s16, $0xb8;
	[tilespmem:$0x1FEA0] =	vst v63  }
0x73: {  	_ =	swait.ge [sflag:s23], $0x2800  }
0x74: {  	[sflag:s23] =	ssyncset.done $0x0  }
0x75: {  	[sflag:s23] =	ssyncadd.s32 $0xFFFFD800  }
0x76: {  	_ =	swait.ge [sflag:s28], $0x2800  }
0x77: {  	[sflag:s28] =	ssyncset.done $0x0  }
0x78: {  	[sflag:s28] =	ssyncadd.s32 $0xFFFFD800  }
0x79: {  	_ =	swait.ge [sflag:s30], $0x2800  }
0x7a: {  	s0 =	sadd.s32 $0x1, s0;
	[sflag:s30] =	ssyncset.done $0x0  }
0x7b: {  	p1 =	sne.s32 s0, s9;
	[sflag:s30] =	ssyncadd.s32 $0xFFFFD800  }
.Ltmp1:
0x7c: {  	s18 =	simm.s32 @!p0 $0x7;
	[bflag:$0x0] =	sbarrier.arrive $0xFFFF;
	(pc) =	sbr.rel @p1 .LBB2_1-.Ltmp1, $4  }
0x7d: {  	[hbm:s8], [sflag:s12] =	dma.local @!p0 [spmem:s13], $0x3E80  }
0x7e: {  	_ =	swait.ge @!p0 [sflag:s18], $0x3E80  }
0x7f: {  	[sflag:s18] =	ssyncset.done @!p0 $0x0  }
0x80: {  	[sflag:s18] =	ssyncadd.s32 @!p0 $0xFFFFC180  }
0x81: {  	_ =	sfence.sel $0x180000  }
0x82: {  	[bflag:$0x0] =	sbarrier.arrive $0xFFFF  }
0x83: {  	_ =	strace $0x9000004D  }
0x84: {  	s0 =	stileid.u32;
	[bflag:$0x2] =	sbarrier.arrive $0xFFFF  }
0x85: {  	p0 =	sne.s32 s0, $0x0;
	s0 =	rddreg [dreg:$0x3]  }
0x86: {  	s0 =	sadd.s32 @!p0 $0x100000, s0  }
0x87: {  	[sflag:s0] =	ssyncadd.tile.s32 @!p0 $0x1;
	_ =	shalt  }
.Lfunc_end2:
_tile_overlayer_lowered:
.L_overlay_start_2:
0x88: {  	(tag) =	ssettag $0x2  }
0x89: {  	s0 =	rddreg [dreg:$0x0];
	s2 =	stileid.u32  }
0x8a: {  	s1 =	rddreg [dreg:$0x1];
	p0 =	sne.s32 s2, $0x0  }
0x8b: {  	s3 =	rddreg [dreg:$0x2];
	[bflag:$0x3] =	sbarrier.arrive $0xFFFF;
	s2 =	simm.s32 @!p0 $0x1C07  }
0x8c: {  	[timem:s3], [sflag:s2] =	dma.local @!p0 [hbm:s0], s1  }
0x8d: {  	s0 =	simm.s32 @!p0 $0x7  }
0x8e: {  	_ =	swait.ge @!p0 [sflag:s0], s1  }
0x8f: {  	s1 =	ssub.s32 @!p0 $0x0, s1;
	[sflag:s0] =	ssyncset.done @!p0 $0x0  }
0x90: {  	[sflag:s0] =	ssyncadd.s32 @!p0 s1  }
0x91: {  	[bflag:$0x3] =	sbarrier.arrive $0xFFFF  }
0x92: {  	_ =	shalt  }

// kernel: kernel.8.cloned.1.call-start
scs
__scs_entry_jumppad:
0x0: {  	(pc) =	sbr.rel $0x88, $3  }
0x1: {  	(tag) =	ssettag $0x0;
	lr =	simm.s32 $0x1  }
0x2: {  	[smem:$0x3F9B] =	sst lr;
	_ =	strace $0xD0000000  }
0x3: {  	_ = 	snop  }
0x4: {  	_ = 	snop  }
0x5: {  	_ = 	snop  }
0x6: {  	_ = 	snop  }
0x7: {  	_ = 	snop  }
__scs_overlays_trampoline_lowered:
0x8: {  	[smem:$0x3FAA] =	sst s0  }
0x9: {  	[smem:$0x3FAB] =	sst s1  }
0xa: {  	[smem:$0x3FAC] =	sst s2  }
0xb: {  	[smem:$0x3FAD] =	sst s3  }
0xc: {  	[smem:$0x3FAE] =	sst s4  }
0xd: {  	[smem:$0x3FAF] =	sst s5  }
0xe: {  	[smem:$0x3FB0] =	sst s6  }
0xf: {  	[smem:$0x3FB1] =	sst s7  }
0x10: {  	[smem:$0x3FB2] =	sst s8  }
0x11: {  	[smem:$0x3FB3] =	sst s9;
	s0 =	simm.s32 @!p0 $0x0  }
0x12: {  	s1 =	sld [smem:$0x3F99];
	s0 =	simm.s32 @p0 $0x1  }
0x13: {  	[smem:$0x3FB4] =	sst s0;
	s0 =	simm.s32 @!p1 $0x0  }
0x14: {  	s2 =	sld [smem:$0x3F98];
	s0 =	simm.s32 @p1 $0x1  }
0x15: {  	[smem:$0x3FB5] =	sst s0;
	s0 =	simm.s32 @!p2 $0x0  }
0x16: {  	s3 =	sld [smem:$0x3FDB];
	s0 =	simm.s32 @p2 $0x1  }
0x17: {  	s4 =	simm.s32 $0x1BF5;
	[smem:$0x3FB7] =	sst s0  }
0x18: {  	s0 =	sld [smem:$0x3F9A];
	_ =	swait.ge [sflag:s4], $0x0  }
0x19: {  	s7 =	sld [smem:$0x3F9B]  }
0x1a: {  	s8 =	sadd.s32 $0xFFFFE003, lr  }
0x1b: {  	s9 =	sadd.s32 $0xFFFFFEF7, lr;
	s5 =	simm.s32 $0xFFFFFFFF;
	p2 =	slt.u32 s8, $0xFFFFF086  }
0x1c: {  	p1 =	slt.u32 s9, $0xF7A;
	s5 =	simm.s32 @!p2 $0x0  }
0x1d: {  	s5 =	simm.s32 @p1 $0x1;
	p0 =	seq.s32 s7, s2  }
0x1e: {  	s7 =	smul.u32 @!p0 $0xF7A, s2;
	p2 =	seq.s32 @!p0 s5, $0x0  }
0x1f: {  	s9 =	smul.u32 $0xF7A, s1;
	s8 =	simm.s32 @!p0 $0x1BF5;
	p2 =	por !p2, p0  }
0x20: {  	[sflag:s8] =	ssyncset.s32 @!p0 $0xFFFFF086;
	s6 =	sadd.s32 @!p0 s3, s7;
	s7 =	simm.s32 @!p0 $0x108  }
0x21: {  	s3 =	sadd.s32 s3, s9;
	s6 =	sadd.s32 @!p0 $0x88, s6;
	s7 =	simm.s32 @p2 $0x1082  }
0x22: {  	[simem:s7], [sflag:s8] =	dma.local @!p0 [hbm:s6], $0xF7A  }
0x23: {  	s9 =	sor.u32 $0xD0000000, s2;
	s6 =	simm.s32 $0x108;
	_ =	swait.ge @!p0 [sflag:s8], $0x0  }
0x24: {  	s3 =	sadd.s32 $0x88, s3;
	s6 =	simm.s32 @!p1 $0x1082;
	[sflag:s4] =	ssyncset.s32 $0xFFFFF086  }
0x25: {  	[simem:s6], [sflag:s4] =	dma.local [hbm:s3], $0xF7A  }
0x26: {  	[smem:$0x3F9B] =	sst s1;
	(tag) =	ssettag s2;
	_ =	strace s9  }
0x27: {  	s1 =	sld [smem:$0x3FAB]  }
0x28: {  	s2 =	sld [smem:$0x3FAC]  }
0x29: {  	s4 =	sld [smem:$0x3FAE]  }
0x2a: {  	p0 =	seq.s32 s5, $0x0;
	s5 =	sld [smem:$0x3FAF]  }
0x2b: {  	s6 =	sld [smem:$0x3FB0]  }
0x2c: {  	s7 =	sld [smem:$0x3FB1]  }
0x2d: {  	s3 =	simm.s32 $0x108;
	s8 =	sld [smem:$0x3FB2]  }
0x2e: {  	s3 =	simm.s32 @!p0 $0x1082;
	s9 =	sld [smem:$0x3FB3]  }
0x2f: {  	lr =	sadd.s32 s0, s3;
	s0 =	sld [smem:$0x3FAA]  }
0x30: {  	s3 =	sld [smem:$0x3FAD]  }
0x31: {  	[smem:$0x3FB6] =	sst s10  }
0x32: {  	s10 =	sld [smem:$0x3FB4];
	_ =	sdelay $0x3  }
0x33: {  	p0 =	seq.s32 s10, $0x1;
	s10 =	sld [smem:$0x3FB6];
	_ =	sdelay $0x3  }
0x34: {  	[smem:$0x3FB6] =	sst s10  }
0x35: {  	s10 =	sld [smem:$0x3FB5];
	_ =	sdelay $0x3  }
0x36: {  	p1 =	seq.s32 s10, $0x1;
	s10 =	sld [smem:$0x3FB6];
	_ =	sdelay $0x3  }
0x37: {  	[smem:$0x3FB6] =	sst s10  }
0x38: {  	s10 =	sld [smem:$0x3FB7]  }
0x39: {  	_ = 	snop;
	(pc) =	sbr.ind lr, $3  }
0x3a: {  	_ = 	snop  }
0x3b: {  	_ = 	snop  }
0x3c: {  	p2 =	seq.s32 s10, $0x1;
	s10 =	sld [smem:$0x3FB6]  }
0x3d: {  	_ =	shalt  }
0x3e: {  	_ =	shalt  }
0x3f: {  	_ =	shalt  }
0x40: {  	_ =	shalt  }
0x41: {  	_ =	shalt  }
0x42: {  	_ =	shalt  }
0x43: {  	_ =	shalt  }
0x44: {  	_ =	shalt  }
0x45: {  	_ =	shalt  }
0x46: {  	_ =	shalt  }
0x47: {  	_ =	shalt  }
0x48: {  	_ =	shalt  }
0x49: {  	_ =	shalt  }
0x4a: {  	_ =	shalt  }
0x4b: {  	_ =	shalt  }
0x4c: {  	_ =	shalt  }
0x4d: {  	_ =	shalt  }
0x4e: {  	_ =	shalt  }
0x4f: {  	_ =	shalt  }
0x50: {  	_ =	shalt  }
0x51: {  	_ =	shalt  }
0x52: {  	_ =	shalt  }
0x53: {  	_ =	shalt  }
0x54: {  	_ =	shalt  }
0x55: {  	_ =	shalt  }
0x56: {  	_ =	shalt  }
0x57: {  	_ =	shalt  }
0x58: {  	_ =	shalt  }
0x59: {  	_ =	shalt  }
0x5a: {  	_ =	shalt  }
0x5b: {  	_ =	shalt  }
0x5c: {  	_ =	shalt  }
0x5d: {  	_ =	shalt  }
0x5e: {  	_ =	shalt  }
0x5f: {  	_ =	shalt  }
0x60: {  	_ =	shalt  }
0x61: {  	_ =	shalt  }
0x62: {  	_ =	shalt  }
0x63: {  	_ =	shalt  }
0x64: {  	_ =	shalt  }
0x65: {  	_ =	shalt  }
0x66: {  	_ =	shalt  }
0x67: {  	_ =	shalt  }
0x68: {  	_ =	shalt  }
0x69: {  	_ =	shalt  }
0x6a: {  	_ =	shalt  }
0x6b: {  	_ =	shalt  }
0x6c: {  	_ =	shalt  }
0x6d: {  	_ =	shalt  }
0x6e: {  	_ =	shalt  }
0x6f: {  	_ =	shalt  }
0x70: {  	_ =	shalt  }
0x71: {  	_ =	shalt  }
0x72: {  	_ =	shalt  }
0x73: {  	_ =	shalt  }
0x74: {  	_ =	shalt  }
0x75: {  	_ =	shalt  }
0x76: {  	_ =	shalt  }
0x77: {  	_ =	shalt  }
0x78: {  	_ =	shalt  }
0x79: {  	_ =	shalt  }
0x7a: {  	_ =	shalt  }
0x7b: {  	_ =	shalt  }
0x7c: {  	_ =	shalt  }
0x7d: {  	_ =	shalt  }
0x7e: {  	_ =	shalt  }
0x7f: {  	_ =	shalt  }
0x80: {  	_ =	shalt  }
0x81: {  	_ =	shalt  }
0x82: {  	_ =	shalt  }
0x83: {  	_ =	shalt  }
0x84: {  	_ =	shalt  }
0x85: {  	_ =	shalt  }
0x86: {  	_ =	shalt  }
0x87: {  	_ =	shalt  }
.Lfunc_end0:
.L_simem_size_0:
called_computation_lowered:
.L_overlay_start_0:
0x88: {  	s2 =	sld [smem:$0x3FD9]  }
0x89: {  	s3 =	sld [smem:$0x3FFE];
	_ =	sdelay $0x1  }
0x8a: {  	s1 =	srdreg.scid  }
0x8b: {  	s0 =	sand.u32 $0x1, s1  }
0x8c: {  	s17 =	sshll.u32 s0, $0xA;
	s2 =	sadd.s32 s3, s2  }
0x8d: {  	s2 =	sadd.s32 s2, s17  }
0x8e: {  	[smem:$0x3FC2] =	sst s2  }
0x8f: {  	_ = 	snop  }
0x90: {  	s2 =	sld [smem:$0x3FD0];
	(tm) =	ssettm $0x1  }
0x91: {  	s18 =	sld [smem:$0x3FFB];
	_ =	sdelay $0x3  }
0x92: {  	_ =	strace s18  }
0x93: {  	s3 =	sld [smem:$0x3FFC];
	_ =	sdelay $0x3  }
0x94: {  	_ =	strace s3  }
0x95: {  	s3 =	sld [smem:$0x3FFD];
	_ =	sdelay $0x3  }
0x96: {  	_ =	strace s3  }
0x97: {  	_ =	strace $0x8FFFFFFF  }
0x98: {  	s19 =	sld [smem:$0x3FDB];
	_ =	sdelay $0x1  }
0x99: {  	s4 =	simm.s32 $_scs_section_size  }
0x9a: {  	s5 =	simm.s32 $_size__tile_overlayer_lowered;
	s6 =	simm.s32 $_tile_overlayer_lowered  }
0x9b: {  	s22 =	simm.s32 $0x1BFF;
	s21 =	sshll.u32 s6, $0x1;
	s3 =	sadd.s32 s4, s19  }
0x9c: {  	s7 =	simm.s32 $0x0;
	s20 =	sshll.u32 s5, $0x1;
	s5 =	sadd.s32 s21, s3  }
0x9d: {  	[timem:s7], [sflag:s22] =	dma.local [hbm:s5], s20  }
0x9e: {  	_ =	swait.ge [sflag:s22], s20  }
0x9f: {  	s4 =	ssub.s32 $0x0, s20;
	[sflag:s22] =	ssyncset.done $0x0  }
0xa0: {  	[sflag:s22] =	ssyncadd.s32 s4;
	_ =	sdelay $0x1  }
0xa1: {  	s23 =	simm.s32 $0x1B8B  }
0xa2: {  	_ =	swait.ge [sflag:s23], $0x1  }
0xa3: {  	[sflag:s23] =	ssyncset.done $0x0  }
0xa4: {  	s25 =	simm.s32 $0x1B8E;
	s24 =	sld [smem:$0x3FFE];
	[sflag:s23] =	ssyncadd.s32 $0xFFFFFFFF  }
0xa5: {  	s26 =	simm.s32 $execute0_lowered;
	[smem:$0x3FD2] =	sst s25  }
0xa6: {  	s5 =	sshll.u32 s26, $0x1;
	_ =	strace $0x80000046;
	[dreg:$0x1] =	wrdreg $0xFFFFFFFF  }
0xa7: {  	s28 =	simm.s32 $_size_execute0_lowered;
	s3 =	sadd.s32 s3, s5;
	[dreg:$0x0] =	wrdreg $0x0  }
0xa8: {  	s5 =	sshll.u32 s28, $0x1;
	[dreg:$0x2] =	wrdreg s3  }
0xa9: {  	[dreg:$0x3] =	wrdreg s5  }
0xaa: {  	[dreg:$0x4] =	wrdreg $0xC0  }
0xab: {  	_ =	task [dreg:s7], $0x5FFFF  }
0xac: {  	[dreg:$0x1] =	wrdreg $0xFFFFFFFF  }
0xad: {  	[dreg:$0x0] =	wrdreg $0x60  }
0xae: {  	[dreg:$0x2] =	wrdreg s24  }
0xaf: {  	[dreg:$0x3] =	wrdreg s2  }
0xb0: {  	[dreg:$0x4] =	wrdreg $0x0  }
0xb1: {  	[dreg:$0x5] =	wrdreg $0x9  }
0xb2: {  	_ =	task.clear_ibuf [dreg:s7], $0x6FFFF;
	_ =	strace $0x90000046  }
0xb3: {  	s29 =	simm.s32 $0x9;
	_ =	strace $0x80000048  }
0xb4: {  	_ =	swait.ge [sflag:s29], $0x1  }
0xb5: {  	[sflag:s29] =	ssyncadd.s32 $0xFFFFFFFF  }
0xb6: {  	_ =	strace $0x90000048  }
0xb7: {  	_ =	sfence  }
0xb8: {  	s30 =	sld [smem:$0x0];
	_ =	sdelay $0x2  }
0xb9: {  	s31 =	sshll.u32 s1, $0xD;
	s1 =	sshrl.u32 s1, $0x2  }
0xba: {  	s3 =	sand.u32 $0x4000, s31;
	s1 =	sadd.s32 s1, s30  }
0xbb: {  	s0 =	sor.u32 s3, s0;
	s1 =	sshll.u32 s1, $0x11  }
0xbc: {  	s0 =	sor.u32 s1, s0  }
0xbd: {  	s0 =	sadd.s32 $0x8F2B, s0  }
0xbe: {  	[sflag:s0] =	ssyncadd.remote.s32 $0x1  }
0xbf: {  	_ =	sfence.sel $0xFFFF  }
0xc0: {  	[dreg:$0x0] =	wrdreg $0xFFFFFFFF;
	(pc) =	sbr.abs _section_cstart, $3  }
0xc1: {  	[dreg:$0x1] =	wrdreg $0xFFFFFFFF  }
0xc2: {  	_ =	task.clear_ibuf [dreg:s7], $0x2FFFF;
	_ =	strace $0x9FFFFFFF  }
0xc3: {  	(tm) =	ssettm $0x7FFFFFFF  }
tec
execute0_lowered:
.L_overlay_start_1:
0x0: {  	(tag) =	ssettag $0x1  }
0x1: {  	s4 =	rddreg [dreg:$0x0]  }
0x2: {  	s6 =	rddreg [dreg:$0x1]  }
0x3: {  	s1 =	rddreg [dreg:$0x2];
	s2 =	srdreg.scid  }
0x4: {  	s0 =	rddreg [dreg:$0x3];
	s3 =	simm.s32 $0x0;
	s13 =	simm.s32 $0x6B30  }
0x5: {  	s14 =	simm.s32 $0x6B80;
	s15 =	simm.s32 $0x2;
	s5 =	sand.u32 $0x1, s2  }
0x6: {  	s16 =	simm.s32 $0x3;
	s2 =	stileid.u32;
	s7 =	smul.u32 $0x27100, s5  }
0x7: {  	s17 =	simm.s32 $0x4;
	s18 =	simm.s32 $0x9150;
	s8 =	smul.u32 $0x2710, s2  }
0x8: {  	s21 =	simm.s32 $0x0;
	[smem:$0x7FF] =	sst s3;
	s9 =	smul.u32 $0x7D0, s2  }
0x9: {  	_ =	strace $0x80000047;
	s10 =	ssub.s32 $0x2, s5;
	s29 =	smul.u32 $0xFA00, s2  }
0xa: {  	s12 =	smul.u32 $0x4E20, s5;
	p0 =	sgt.u32 s2, $0x9;
	s11 =	sshrl.u32 s10, $0x1  }
0xb: {  	s19 =	sshll.u32 @!p0 s2, $0x6;
	s7 =	sadd.s32 s7, s8;
	s10 =	ssub.s32 s10, s11  }
0xc: {  	s30 =	sshrl.u32 s29, $0x2;
	s31 =	sadd.s32 s9, s12;
	s8 =	simm.s32 $0x6A90  }
0xd: {  	s9 =	simm.s32 $0x1;
	s11 =	simm.s32 $0x6590;
	s12 =	simm.s32 $0x6AE0  }
0xe: {  	s19 =	sor.u32 @!p0 $0x1C05, s19;
	s7 =	sshrl.u32 s7, $0x3;
	s5 =	sadd.s32 s30, s1  }
0xf: {  	s6 =	sadd.s32 s6, s31;
	s4 =	sadd.s32 s4, s7;
	s7 =	smax.u32 s10, $0x1  }
0x10: {  	v0 =	vimm.f32 $0.0e+00;
	v1 =	vimm.f32 $1.000000000e+00;
	s10 =	simm.s32 $0x50;
	s20 =	sshrl.u32 @!p0 s5, $0x3;
	s4 =	sadd.s32 $0xC240, s4  }
.LBB2_1:
0x11: {  	[tilespmem:s8], [sflag:$0x1] =	stream.linear.gather [hbm4b:s4+s3], $0x2710, $0x38;
	[tilespmem:$0x91A0] =	vst v63  }
0x12: {  	s22 =	simm.s32 $0x0  }
.LBB2_2:
0x13: {  	p1 =	sne.s32 s22, $0xF9C0  }
.Ltmp0:
0x14: {  	_ = 	snop;
	(pc) =	sbr.rel @p1 .LBB2_2-.Ltmp0, $3  }
0x15: {  	_ =	sdelay $0x1  }
0x16: {  	s23 =	sshra.s32 s22, $0x2  }
0x17: {  	s22 =	sadd.s32 $0x40, s22;
	[tilespmem:s23+$0x2710] =	vst v0  }
0x18: {  	s22 =	simm.s32 $0x40;
	s23 =	simm.s32 $0x0  }
.LBB2_4:
0x19: {  	p1 =	sne.s32 s22, $0x13C0;
	[tilespmem:s23+$0x6590] =	vst v1;
	s23 =	smov.u32 s22;
	s22 =	sadd.s32 $0x40, s22  }
.Ltmp1:
0x1a: {  	(pc) =	sbr.rel @p1 .LBB2_4-.Ltmp1, $2  }
0x1b: {  	_ =	sdelay $0x2  }
0x1c: {  	s23 =	sshra.s32 s23, $0x2  }
0x1d: {  	[tilespmem:s23+$0x6590] =	vst v1;
	s22 =	simm.s32 @!p0 $0x2710  }
0x1e: {  	[spmem:s5] =	stream.linear.scatter @!p0 [tilespmem:s22], [sflag:$0x5], $0x3E80, $0x38;
	[tilespmem:$0x91A0] =	vst v63  }
0x1f: {  	s22 =	simm.s32 @!p0 $0x5  }
0x20: {  	_ =	swait.ge @!p0 [sflag:s22], $0x3E80  }
0x21: {  	[sflag:s22] =	ssyncset.done @!p0 $0x0  }
0x22: {  	[sflag:s22] =	ssyncadd.s32 @!p0 $0xFFFFC180  }
0x23: {  	_ =	swait.ge [sflag:s9], $0x2710  }
0x24: {  	[sflag:s9] =	ssyncset.done $0x0  }
0x25: {  	[sflag:s9] =	ssyncadd.s32 $0xFFFFD8F0  }
0x26: {  	[bflag:$0x0] =	sbarrier.arrive $0xFFFF  }
0x27: {  	[spmem:s1] =	stream.indirect.scatter.add.f32 [tilespmem:s11], [sflag:$0x1], $0x10, s8, s10, $0xb8;
	[tilespmem:$0x91A0] =	vst v63  }
0x28: {  	_ = 	snop  }
0x29: {  	[spmem:s1] =	stream.indirect.scatter.add.f32 [tilespmem:s11], [sflag:$0x2], $0x10, s12, s10, $0xb8;
	[tilespmem:$0x91A0] =	vst v63  }
0x2a: {  	_ = 	snop  }
0x2b: {  	[spmem:s1] =	stream.indirect.scatter.add.f32 [tilespmem:s11], [sflag:$0x3], $0x10, s13, s10, $0xb8;
	[tilespmem:$0x91A0] =	vst v63  }
0x2c: {  	_ = 	snop  }
0x2d: {  	[spmem:s1] =	stream.indirect.scatter.add.f32 [tilespmem:s11], [sflag:$0x4], $0x10, s14, s10, $0xb8;
	[tilespmem:$0x91A0] =	vst v63  }
0x2e: {  	_ =	swait.ge [sflag:s9], $0x500  }
0x2f: {  	[sflag:s9] =	ssyncset.done $0x0  }
0x30: {  	s29 =	simm.s32 $0x6BD0;
	[sflag:s9] =	ssyncadd.s32 $0xFFFFFB00  }
0x31: {  	[spmem:s1] =	stream.indirect.scatter.add.f32 [tilespmem:s11], [sflag:$0x1], $0x10, s29, s10, $0xb8;
	[tilespmem:$0x91A0] =	vst v63  }
0x32: {  	_ =	swait.ge [sflag:s15], $0x500  }
0x33: {  	[sflag:s15] =	ssyncset.done $0x0  }
0x34: {  	s30 =	simm.s32 $0x6C20;
	[sflag:s15] =	ssyncadd.s32 $0xFFFFFB00  }
0x35: {  	[spmem:s1] =	stream.indirect.scatter.add.f32 [tilespmem:s11], [sflag:$0x2], $0x10, s30, s10, $0xb8;
	[tilespmem:$0x91A0] =	vst v63  }
0x36: {  	_ =	swait.ge [sflag:s16], $0x500  }
0x37: {  	[sflag:s16] =	ssyncset.done $0x0  }
0x38: {  	s31 =	simm.s32 $0x6C70;
	[sflag:s16] =	ssyncadd.s32 $0xFFFFFB00  }
0x39: {  	[spmem:s1] =	stream.indirect.scatter.add.f32 [tilespmem:s11], [sflag:$0x3], $0x10, s31, s10, $0xb8;
	[tilespmem:$0x91A0] =	vst v63  }
0x3a: {  	_ =	swait.ge [sflag:s17], $0x500  }
0x3b: {  	[sflag:s17] =	ssyncset.done $0x0  }
0x3c: {  	s23 =	simm.s32 $0x6CC0;
	s22 =	simm.s32 $0xFFFF6F00;
	[sflag:s17] =	ssyncadd.s32 $0xFFFFFB00  }
.LBB2_6:
0x3d: {  	[spmem:s1] =	stream.indirect.scatter.add.f32 [tilespmem:s11], [sflag:$0x4], $0x10, s23, s10, $0xb8;
	[tilespmem:$0x91A0] =	vst v63  }
0x3e: {  	s23 =	smov.u32 s22  }
0x3f: {  	p1 =	sne.s32 s22, $0xFFFFFB00;
	s22 =	sadd.s32 $0x500, s22;
	_ =	swait.ge [sflag:s9], $0x500  }
0x40: {  	s23 =	sshra.s32 s23, $0x2;
	[sflag:s9] =	ssyncset.done $0x0  }
0x41: {  	s24 =	sadd.s32 $0x9150, s23;
	[sflag:s9] =	ssyncadd.s32 $0xFFFFFB00  }
0x42: {  	[spmem:s1] =	stream.indirect.scatter.add.f32 [tilespmem:s11], [sflag:$0x1], $0x10, s24, s10, $0xb8;
	[tilespmem:$0x91A0] =	vst v63  }
0x43: {  	_ =	swait.ge [sflag:s15], $0x500  }
0x44: {  	[sflag:s15] =	ssyncset.done $0x0  }
0x45: {  	s24 =	sadd.s32 $0x91A0, s23;
	[sflag:s15] =	ssyncadd.s32 $0xFFFFFB00  }
0x46: {  	[spmem:s1] =	stream.indirect.scatter.add.f32 [tilespmem:s11], [sflag:$0x2], $0x10, s24, s10, $0xb8;
	[tilespmem:$0x91A0] =	vst v63  }
0x47: {  	_ =	swait.ge [sflag:s16], $0x500  }
0x48: {  	[sflag:s16] =	ssyncset.done $0x0  }
.Ltmp2:
0x49: {  	s24 =	sadd.s32 $0x91F0, s23;
	[sflag:s16] =	ssyncadd.s32 $0xFFFFFB00;
	(pc) =	sbr.rel @p1 .LBB2_6-.Ltmp2, $4  }
0x4a: {  	[spmem:s1] =	stream.indirect.scatter.add.f32 [tilespmem:s11], [sflag:$0x3], $0x10, s24, s10, $0xb8;
	[tilespmem:$0x91A0] =	vst v63  }
0x4b: {  	_ =	swait.ge [sflag:s17], $0x500  }
0x4c: {  	[sflag:s17] =	ssyncset.done $0x0  }
0x4d: {  	s23 =	sadd.s32 $0x9240, s23;
	[sflag:s17] =	ssyncadd.s32 $0xFFFFFB00  }
0x4e: {  	[spmem:s1] =	stream.indirect.scatter.add.f32 [tilespmem:s11], [sflag:$0x4], $0x10, s23, s10, $0xb8;
	[tilespmem:$0x91A0] =	vst v63  }
0x4f: {  	_ =	swait.ge [sflag:s9], $0x500  }
0x50: {  	[sflag:s9] =	ssyncset.done $0x0  }
0x51: {  	[sflag:s9] =	ssyncadd.s32 $0xFFFFFB00  }
0x52: {  	[spmem:s1] =	stream.indirect.scatter.add.f32 [tilespmem:s11], [sflag:$0x1], $0x10, s18, s10, $0xb8;
	[tilespmem:$0x91A0] =	vst v63  }
0x53: {  	_ =	swait.ge [sflag:s9], $0x500  }
0x54: {  	[sflag:s9] =	ssyncset.done $0x0  }
0x55: {  	[sflag:s9] =	ssyncadd.s32 $0xFFFFFB00  }
0x56: {  	_ =	swait.ge [sflag:s15], $0x500  }
0x57: {  	[sflag:s15] =	ssyncset.done $0x0  }
0x58: {  	[sflag:s15] =	ssyncadd.s32 $0xFFFFFB00  }
0x59: {  	_ =	swait.ge [sflag:s16], $0x500  }
0x5a: {  	[sflag:s16] =	ssyncset.done $0x0  }
0x5b: {  	[sflag:s16] =	ssyncadd.s32 $0xFFFFFB00  }
0x5c: {  	_ =	swait.ge [sflag:s17], $0x500  }
0x5d: {  	s21 =	sadd.s32 $0x1, s21;
	[sflag:s17] =	ssyncset.done $0x0  }
0x5e: {  	p1 =	sne.s32 s21, s7;
	[sflag:s17] =	ssyncadd.s32 $0xFFFFFB00  }
.Ltmp3:
0x5f: {  	s22 =	simm.s32 @!p0 $0x5;
	[bflag:$0x0] =	sbarrier.arrive $0xFFFF;
	(pc) =	sbr.rel @p1 .LBB2_1-.Ltmp3, $4  }
0x60: {  	[hbm:s6], [sflag:s19] =	dma.local @!p0 [spmem:s20], $0x7D0  }
0x61: {  	_ =	swait.ge @!p0 [sflag:s22], $0x7D0  }
0x62: {  	[sflag:s22] =	ssyncset.done @!p0 $0x0  }
0x63: {  	[sflag:s22] =	ssyncadd.s32 @!p0 $0xFFFFF830  }
0x64: {  	_ =	sfence.sel $0x180000  }
0x65: {  	[bflag:$0x0] =	sbarrier.arrive $0xFFFF  }
0x66: {  	p0 =	sne.s32 s2, $0x0;
	_ =	strace $0x90000047  }
0x67: {  	s0 =	sadd.s32 @!p0 $0x100000, s0;
	[bflag:$0x2] =	sbarrier.arrive $0xFFFF  }
0x68: {  	[sflag:s0] =	ssyncadd.tile.s32 @!p0 $0x1;
	_ =	shalt  }
.Lfunc_end2:
_tile_overlayer_lowered:
.L_overlay_start_2:
0x69: {  	(tag) =	ssettag $0x2  }
0x6a: {  	s0 =	rddreg [dreg:$0x0];
	s2 =	stileid.u32  }
0x6b: {  	s1 =	rddreg [dreg:$0x1];
	p0 =	sne.s32 s2, $0x0  }
0x6c: {  	s3 =	rddreg [dreg:$0x2];
	[bflag:$0x3] =	sbarrier.arrive $0xFFFF;
	s2 =	simm.s32 @!p0 $0x1C05  }
0x6d: {  	[timem:s3], [sflag:s2] =	dma.local @!p0 [hbm:s0], s1  }
0x6e: {  	s0 =	simm.s32 @!p0 $0x5  }
0x6f: {  	_ =	swait.ge @!p0 [sflag:s0], s1  }
0x70: {  	s1 =	ssub.s32 @!p0 $0x0, s1;
	[sflag:s0] =	ssyncset.done @!p0 $0x0  }
0x71: {  	[sflag:s0] =	ssyncadd.s32 @!p0 s1  }
0x72: {  	[bflag:$0x3] =	sbarrier.arrive $0xFFFF  }
0x73: {  	_ =	shalt  }

</sc_bundles>
